<compile_context>
chip_gen: v7x
topology: tpu7x:2x2x1
jax: 0.10.2.dev20260603
libtpu: 0.0.44.dev20260713+nightly
codegen_flags: <defaults>
</compile_context>

<pallas_src>
import jax
import jax.numpy as jnp
from jax.experimental import pallas as pl
from jax.experimental.pallas import tpu as pltpu

B, R, C = 4, 8192, 1024
_ROW_BLK_NORM = 1024
_ROW_BLK_MUL = 512


def _sumsq_tree(x):
    sq = x * x
    c = [sq[..., 128 * i:128 * (i + 1)] for i in range(8)]
    t = [c[0] + c[1], c[2] + c[3], c[4] + c[5], c[6] + c[7]]
    u = [t[0] + t[1], t[2] + t[3]]
    acc128 = u[0] + u[1]
    tr = jnp.swapaxes(acc128, 1, 2)
    acc = tr[:, 0:8, :]
    for g in range(1, 16):
        acc = acc + tr[:, 8 * g:8 * (g + 1), :]
    a4 = acc[:, 0:4, :] + acc[:, 4:8, :]
    a2 = a4[:, 0:2, :] + a4[:, 2:4, :]
    return a2[:, 0, :] + a2[:, 1, :]


def _norms_body(w_ref, mag_ref):
    s = _sumsq_tree(w_ref[...])
    mag_ref[...] = jnp.where(s == 0.0, 0.0, s * jax.lax.rsqrt(s))


def _mul_body(w_ref, mag_ref, thr_ref, out_ref):
    thr = thr_ref[...][:, 0:1]
    mask = (mag_ref[...] >= thr).astype(jnp.float32)
    out_ref[...] = w_ref[...] * mask[:, :, None]


def _sc_select(mags, karr):
    from jax.experimental.pallas import tpu_sc as plsc

    import dataclasses

    mesh = plsc.VectorSubcoreMesh(core_axis_name="c", subcore_axis_name="s")
    cp = pltpu.CompilerParams()
    if "needs_layout_passes" in pltpu.CompilerParams.__dataclass_fields__:
        cp = dataclasses.replace(cp, needs_layout_passes=False)

    @pl.kernel(out_type=jax.ShapeDtypeStruct((1, 16), jnp.int32),
               mesh=mesh,
               compiler_params=cp,
               scratch_types=[pltpu.VMEM((R,), jnp.float32),
                              pltpu.VMEM((16,), jnp.int32),
                              pltpu.VMEM((16,), jnp.int32),
                              pltpu.SemaphoreType.DMA])
    def sel(mags_hbm, k_hbm, out_hbm, buf, kbuf, obuf, sem):
        core = jax.lax.axis_index("c")
        sub = jax.lax.axis_index("s")

        @pl.when(jnp.logical_and(core == 0, sub == 0))
        def _():
            pltpu.async_copy(mags_hbm.at[0], buf, sem).wait()
            pltpu.async_copy(k_hbm.at[0], kbuf, sem).wait()
            k = kbuf[...][0]

            def bit_step(i, prefix):
                trial = prefix | (1 << (30 - i))

                def slice_step(j, cnt):
                    v = buf[pl.ds(j * 16, 16)]
                    vb = jax.lax.bitcast_convert_type(v, jnp.int32)
                    return cnt + jnp.where(vb >= trial, 1, 0)

                cnt16 = jax.lax.fori_loop(0, R // 16, slice_step,
                                          jnp.zeros((16,), jnp.int32))
                total = jnp.sum(cnt16)
                return jnp.where(total >= k, trial, prefix)

            prefix = jax.lax.fori_loop(0, 31, bit_step, 0)
            obuf[...] = jnp.full((16,), prefix, jnp.int32)
            pltpu.async_copy(obuf, out_hbm.at[0], sem).wait()

    return sel(mags, karr)


@jax.jit
def kernel(weight_params, logits, W, b):
    keep_fraction = jax.nn.sigmoid(logits @ W + b)
    items_to_keep = jnp.clip((keep_fraction * R).astype(jnp.int32), 1, None)
    karr = jnp.broadcast_to(items_to_keep, (B, 16))

    mags_list = []
    thr_list = []
    for bb in range(B):
        mags_b = pl.pallas_call(
            _norms_body,
            grid=(R // _ROW_BLK_NORM,),
            in_specs=[pl.BlockSpec((1, _ROW_BLK_NORM, C),
                                   lambda r, bb=bb: (bb, r, 0))],
            out_specs=pl.BlockSpec((1, _ROW_BLK_NORM), lambda r: (0, r)),
            out_shape=jax.ShapeDtypeStruct((1, R), jnp.float32),
        )(weight_params)
        mags_list.append(mags_b)
        thr_list.append(_sc_select(mags_b, karr[bb:bb + 1]))
    mags = jnp.concatenate(mags_list, axis=0)
    thr_bits = jnp.concatenate(thr_list, axis=0)
    thr = jax.lax.bitcast_convert_type(thr_bits, jnp.float32)

    out = pl.pallas_call(
        _mul_body,
        grid=(R // _ROW_BLK_MUL,),
        in_specs=[
            pl.BlockSpec((B, _ROW_BLK_MUL, C), lambda r: (0, r, 0)),
            pl.BlockSpec((B, _ROW_BLK_MUL), lambda r: (0, r)),
            pl.BlockSpec((B, 16), lambda r: (0, 0)),
        ],
        out_specs=pl.BlockSpec((B, _ROW_BLK_MUL, C), lambda r: (0, r, 0)),
        out_shape=jax.ShapeDtypeStruct((B, R, C), jnp.float32),
    )(weight_params, mags, thr)

    return out

# --- scband reference (transcript-rebuilt; emitter-appended) ---
"""Pipeline reference for scband-row-mask-handler-16612933501321 (READ-ONLY COPY).

The authoritative reference and input builder live on the scoring server;
editing this copy changes nothing except your own understanding.
"""

import jax, jax.numpy as jnp
import numpy as np


def setup_inputs(seed: int = 0) -> dict:
    key = jax.random.key(seed)
    k1, k2, k3, k4 = jax.random.split(key, 4)
    B, R, C = 4, 8192, 1024
    input_dim = 1024
    weight_params = jax.random.normal(k1, (B, R, C), dtype=jnp.float32)
    logits = jax.random.normal(k2, (B, input_dim), dtype=jnp.float32)
    # score_generator: LinearLayerStack(input_dim -> 1), modeled as single linear layer
    W = jax.random.normal(k3, (input_dim, 1), dtype=jnp.float32) * (1.0 / np.sqrt(input_dim))
    b = jax.random.normal(k4, (1,), dtype=jnp.float32) * 0.01
    return {"weight_params": weight_params, "logits": logits, "W": W, "b": b}


def reference(weight_params, logits, W, b):
    # RowMaskHandler.forward (eval mode), mask_dimension_option=ROW:
    #   _count_dim=-2, _magnitude_dim=-1, _broadcast_dim=-1
    keep_fraction_logit = logits @ W + b                      # [B, 1]
    keep_fraction = jax.nn.sigmoid(keep_fraction_logit)      # [B, 1]
    total_count = weight_params.shape[-2]                     # R
    items_to_keep = jnp.clip((keep_fraction * total_count).astype(jnp.int32), 1, None)
    items_to_keep = jnp.squeeze(items_to_keep, axis=-1)       # [B]
    magnitudes = jnp.linalg.norm(weight_params, axis=-1)      # [B, R] (row norms)
    # __build_mask: sort descending, gather threshold at (k-1), compare
    sorted_magnitudes = jnp.sort(magnitudes, axis=-1)[..., ::-1]
    thresholds = jnp.take_along_axis(sorted_magnitudes, (items_to_keep - 1)[..., None], axis=-1)  # [B, 1]
    top_k_mask = (magnitudes >= thresholds).astype(jnp.float32)  # [B, R]
    sparsified_weights = weight_params * top_k_mask[..., None]
    return sparsified_weights

if __name__ == "__main__":
    import jax
    _d = setup_inputs()
    print(jax.jit(kernel)(*tuple(_d.values())))

</pallas_src>

<mosaic_0001>
#map = affine_map<(d0, d1) -> (0, 0)>
module attributes {stable_mosaic.version = 14 : i64} {
  func.func @sel(%arg0: i32, %arg1: i32, %arg2: memref<1x8192xf32, #tpu.memory_space<hbm>>, %arg3: memref<1x16xi32, #tpu.memory_space<hbm>>, %arg4: memref<1x16xi32, #tpu.memory_space<hbm>>, %arg5: memref<8192xf32, #tpu.memory_space<vmem>>, %arg6: memref<16xi32, #tpu.memory_space<vmem>>, %arg7: memref<16xi32, #tpu.memory_space<vmem>>, %arg8: memref<!tpu.dma_semaphore, #tpu.memory_space<semaphore_mem>>) attributes {dimension_semantics = [#tpu.dimension_semantics<core_parallel>, #tpu.dimension_semantics<subcore_parallel>], iteration_bounds = array<i64: 2, 16>, scalar_prefetch = 0 : i64, scratch_operands = 4 : i64, tpu.core_type = #tpu.core_type<sc_vector_subcore>, window_params = [{transform_indices = #map}, {transform_indices = #map}, {transform_indices = #map}]} {
    %eq3A = arith.constant 0 : i32
    %eq3A_0 = arith.cmpi eq, %arg0, %eq3A : i32
    %eq3A_1 = arith.constant 0 : i32
    %eq3A_2 = arith.cmpi eq, %arg1, %eq3A_1 : i32
    %and3A = arith.andi %eq3A_0, %eq3A_2 : i1
    %convert_element_type3A = arith.extui %and3A : i1 to i32
    %cond3A = arith.constant 0 : i32
    %cond3A_3 = arith.cmpi ne, %convert_element_type3A, %cond3A : i32
    scf.if %cond3A_3 {
      %dma_start3A = arith.constant 0 : i32
      %dma_start3A_4 = arith.constant 0 : i32
      %dma_start3A_5 = tpu.memref_slice %arg2[%dma_start3A, %dma_start3A_4] : memref<1x8192xf32, #tpu.memory_space<hbm>> -> memref<1x8192xf32, #tpu.memory_space<hbm>>
      %dma_start3A_6 = tpu.memref_squeeze %dma_start3A_5 : memref<1x8192xf32, #tpu.memory_space<hbm>> -> memref<8192xf32, #tpu.memory_space<hbm>>
      %dma_start3A_7 = arith.constant 0 : i32
      %dma_start3A_8 = tpu.memref_slice %arg2[%dma_start3A, %dma_start3A_7] : memref<1x8192xf32, #tpu.memory_space<hbm>> -> memref<1x8192xf32, #tpu.memory_space<hbm>>
      %dma_start3A_9 = tpu.memref_squeeze %dma_start3A_8 : memref<1x8192xf32, #tpu.memory_space<hbm>> -> memref<8192xf32, #tpu.memory_space<hbm>>
      tpu.enqueue_dma source(%dma_start3A_9 : memref<8192xf32, #tpu.memory_space<hbm>>) target(%arg5 : memref<8192xf32, #tpu.memory_space<vmem>>) target_semaphore(%arg8 : memref<!tpu.dma_semaphore, #tpu.memory_space<semaphore_mem>>)
      %dma_wait3A = arith.constant 0 : i32
      %dma_wait3A_10 = arith.constant 0 : i32
      %dma_wait3A_11 = tpu.memref_slice %arg2[%dma_wait3A, %dma_wait3A_10] : memref<1x8192xf32, #tpu.memory_space<hbm>> -> memref<1x8192xf32, #tpu.memory_space<hbm>>
      %dma_wait3A_12 = tpu.memref_squeeze %dma_wait3A_11 : memref<1x8192xf32, #tpu.memory_space<hbm>> -> memref<8192xf32, #tpu.memory_space<hbm>>
      %dma_wait3A_13 = arith.constant 0 : i32
      %dma_wait3A_14 = tpu.memref_slice %arg2[%dma_wait3A, %dma_wait3A_13] : memref<1x8192xf32, #tpu.memory_space<hbm>> -> memref<1x8192xf32, #tpu.memory_space<hbm>>
      %dma_wait3A_15 = tpu.memref_squeeze %dma_wait3A_14 : memref<1x8192xf32, #tpu.memory_space<hbm>> -> memref<8192xf32, #tpu.memory_space<hbm>>
      tpu.wait_dma2 semaphore(%arg8 : memref<!tpu.dma_semaphore, #tpu.memory_space<semaphore_mem>>) src(%dma_wait3A_15 : memref<8192xf32, #tpu.memory_space<hbm>>) dst(%arg5 : memref<8192xf32, #tpu.memory_space<vmem>>)
      %dma_start3A_16 = arith.constant 0 : i32
      %dma_start3A_17 = arith.constant 0 : i32
      %dma_start3A_18 = tpu.memref_slice %arg3[%dma_start3A_16, %dma_start3A_17] : memref<1x16xi32, #tpu.memory_space<hbm>> -> memref<1x16xi32, #tpu.memory_space<hbm>>
      %dma_start3A_19 = tpu.memref_squeeze %dma_start3A_18 : memref<1x16xi32, #tpu.memory_space<hbm>> -> memref<16xi32, #tpu.memory_space<hbm>>
      %dma_start3A_20 = arith.constant 0 : i32
      %dma_start3A_21 = tpu.memref_slice %arg3[%dma_start3A_16, %dma_start3A_20] : memref<1x16xi32, #tpu.memory_space<hbm>> -> memref<1x16xi32, #tpu.memory_space<hbm>>
      %dma_start3A_22 = tpu.memref_squeeze %dma_start3A_21 : memref<1x16xi32, #tpu.memory_space<hbm>> -> memref<16xi32, #tpu.memory_space<hbm>>
      tpu.enqueue_dma source(%dma_start3A_22 : memref<16xi32, #tpu.memory_space<hbm>>) target(%arg6 : memref<16xi32, #tpu.memory_space<vmem>>) target_semaphore(%arg8 : memref<!tpu.dma_semaphore, #tpu.memory_space<semaphore_mem>>)
      %dma_wait3A_23 = arith.constant 0 : i32
      %dma_wait3A_24 = arith.constant 0 : i32
      %dma_wait3A_25 = tpu.memref_slice %arg3[%dma_wait3A_23, %dma_wait3A_24] : memref<1x16xi32, #tpu.memory_space<hbm>> -> memref<1x16xi32, #tpu.memory_space<hbm>>
      %dma_wait3A_26 = tpu.memref_squeeze %dma_wait3A_25 : memref<1x16xi32, #tpu.memory_space<hbm>> -> memref<16xi32, #tpu.memory_space<hbm>>
      %dma_wait3A_27 = arith.constant 0 : i32
      %dma_wait3A_28 = tpu.memref_slice %arg3[%dma_wait3A_23, %dma_wait3A_27] : memref<1x16xi32, #tpu.memory_space<hbm>> -> memref<1x16xi32, #tpu.memory_space<hbm>>
      %dma_wait3A_29 = tpu.memref_squeeze %dma_wait3A_28 : memref<1x16xi32, #tpu.memory_space<hbm>> -> memref<16xi32, #tpu.memory_space<hbm>>
      tpu.wait_dma2 semaphore(%arg8 : memref<!tpu.dma_semaphore, #tpu.memory_space<semaphore_mem>>) src(%dma_wait3A_29 : memref<16xi32, #tpu.memory_space<hbm>>) dst(%arg6 : memref<16xi32, #tpu.memory_space<vmem>>)
      %get3A = arith.constant 0 : index
      %get3A_30 = tpu.vector_load %arg6[%get3A] {strides = array<i32>} : memref<16xi32, #tpu.memory_space<vmem>>, vector<16xi32>,
      %slice3A = vector.extract_strided_slice %get3A_30 {offsets = [0], sizes = [1], strides = [1]} : vector<16xi32> to vector<1xi32>
      %squeeze3A = vector.extract %slice3A[0] : i32 from vector<1xi32>
      %scan3A = arith.constant 0 : i32
      %scan3A_31 = arith.constant 0 : i32
      %scan3A_32 = arith.constant 31 : i32
      %scan3A_33 = arith.addi %scan3A_31, %scan3A_32 : i32
      %scan3A_34 = arith.constant 1 : i32
      %scan3A_35 = scf.for %scan3A_52 = %scan3A_31 to %scan3A_33 step %scan3A_34 iter_args(%scan3A_53 = %scan3A) -> (i32)  : i32 {
        %sub3A = arith.constant 30 : i32
        %sub3A_54 = arith.subi %sub3A, %scan3A_52 : i32
        %shift_left3A = arith.constant 1 : i32
        %shift_left3A_55 = arith.shli %shift_left3A, %sub3A_54 : i32
        %or3A = arith.ori %scan3A_53, %shift_left3A_55 : i32
        %broadcast_in_dim3A_56 = arith.constant 0 : i32
        %broadcast_in_dim3A_57 = vector.broadcast %broadcast_in_dim3A_56 : i32 to vector<16xi32>
        %scan3A_58 = arith.constant 0 : i32
        %scan3A_59 = arith.constant 512 : i32
        %scan3A_60 = arith.addi %scan3A_58, %scan3A_59 : i32
        %scan3A_61 = arith.constant 1 : i32
        %scan3A_62 = scf.for %scan3A_67 = %scan3A_58 to %scan3A_60 step %scan3A_61 iter_args(%scan3A_68 = %broadcast_in_dim3A_57) -> (vector<16xi32>)  : i32 {
          %mul3A = arith.constant 16 : i32
          %mul3A_69 = arith.muli %scan3A_67, %mul3A : i32
          %get3A_70 = arith.index_cast %mul3A_69 : i32 to index
          %get3A_71 = tpu.vector_load %arg5[%get3A_70] {strides = array<i32>} : memref<8192xf32, #tpu.memory_space<vmem>>, vector<16xf32>,
          %bitcast_convert_type3A = tpu.bitcast %get3A_71 : vector<16xf32> -> vector<16xi32>
          %ge3A_72 = vector.broadcast %or3A : i32 to vector<16xi32>
          %ge3A_73 = arith.cmpi sge, %bitcast_convert_type3A, %ge3A_72 : vector<16xi32>
          %jit3A = arith.constant 1 : i32
          %jit3A_74 = arith.constant 0 : i32
          %broadcast_in_dim3A_75 = vector.broadcast %jit3A : i32 to vector<16xi32>
          %broadcast_in_dim3A_76 = vector.broadcast %jit3A_74 : i32 to vector<16xi32>
          %select_n3A_77 = arith.select %ge3A_73, %broadcast_in_dim3A_75, %broadcast_in_dim3A_76 : vector<16xi1>, vector<16xi32>
          %add3A = arith.addi %scan3A_68, %select_n3A_77 : vector<16xi32>
          scf.yield %add3A : vector<16xi32>
        }
        %scan3A_63 = arith.constant 512 : i32
        %reduce_sum3A = arith.constant true
        %reduce_sum3A_64 = vector.broadcast %reduce_sum3A : i1 to vector<16xi1>
        %reduce_sum3A_65 = tpu.scan <sum>, %scan3A_62 masked %reduce_sum3A_64 : vector<16xi32>, vector<16xi1> -> vector<16xi32>
        %reduce_sum3A_66 = vector.extract %reduce_sum3A_65[15] : i32 from vector<16xi32>
        %ge3A = arith.cmpi sge, %reduce_sum3A_66, %squeeze3A : i32
        %select_n3A = arith.select %ge3A, %or3A, %scan3A_53 : i32
        scf.yield %select_n3A : i32
      }
      %scan3A_36 = arith.constant 31 : i32
      %broadcast_in_dim3A = vector.broadcast %scan3A_35 : i32 to vector<16xi32>
      %swap3A = arith.constant 0 : index
      %swap3A_37 = tpu.vector_load %arg7[%swap3A] {strides = array<i32>} : memref<16xi32, #tpu.memory_space<vmem>>, vector<16xi32>,
      tpu.vector_store %arg7[%swap3A], %broadcast_in_dim3A {strides = array<i32>} : memref<16xi32, #tpu.memory_space<vmem>>, vector<16xi32>,
      %dma_start3A_38 = arith.constant 0 : i32
      %dma_start3A_39 = arith.constant 0 : i32
      %dma_start3A_40 = tpu.memref_slice %arg4[%dma_start3A_38, %dma_start3A_39] : memref<1x16xi32, #tpu.memory_space<hbm>> -> memref<1x16xi32, #tpu.memory_space<hbm>>
      %dma_start3A_41 = tpu.memref_squeeze %dma_start3A_40 : memref<1x16xi32, #tpu.memory_space<hbm>> -> memref<16xi32, #tpu.memory_space<hbm>>
      %dma_start3A_42 = arith.constant 0 : i32
      %dma_start3A_43 = tpu.memref_slice %arg4[%dma_start3A_38, %dma_start3A_42] : memref<1x16xi32, #tpu.memory_space<hbm>> -> memref<1x16xi32, #tpu.memory_space<hbm>>
      %dma_start3A_44 = tpu.memref_squeeze %dma_start3A_43 : memref<1x16xi32, #tpu.memory_space<hbm>> -> memref<16xi32, #tpu.memory_space<hbm>>
      tpu.enqueue_dma source(%arg7 : memref<16xi32, #tpu.memory_space<vmem>>) target(%dma_start3A_44 : memref<16xi32, #tpu.memory_space<hbm>>) target_semaphore(%arg8 : memref<!tpu.dma_semaphore, #tpu.memory_space<semaphore_mem>>)
      %dma_wait3A_45 = arith.constant 0 : i32
      %dma_wait3A_46 = arith.constant 0 : i32
      %dma_wait3A_47 = tpu.memref_slice %arg4[%dma_wait3A_45, %dma_wait3A_46] : memref<1x16xi32, #tpu.memory_space<hbm>> -> memref<1x16xi32, #tpu.memory_space<hbm>>
      %dma_wait3A_48 = tpu.memref_squeeze %dma_wait3A_47 : memref<1x16xi32, #tpu.memory_space<hbm>> -> memref<16xi32, #tpu.memory_space<hbm>>
      %dma_wait3A_49 = arith.constant 0 : i32
      %dma_wait3A_50 = tpu.memref_slice %arg4[%dma_wait3A_45, %dma_wait3A_49] : memref<1x16xi32, #tpu.memory_space<hbm>> -> memref<1x16xi32, #tpu.memory_space<hbm>>
      %dma_wait3A_51 = tpu.memref_squeeze %dma_wait3A_50 : memref<1x16xi32, #tpu.memory_space<hbm>> -> memref<16xi32, #tpu.memory_space<hbm>>
      tpu.wait_dma2 semaphore(%arg8 : memref<!tpu.dma_semaphore, #tpu.memory_space<semaphore_mem>>) src(%arg7 : memref<16xi32, #tpu.memory_space<vmem>>) dst(%dma_wait3A_51 : memref<16xi32, #tpu.memory_space<hbm>>)
    } else {
    }
    return
  }
}

#map = affine_map<(d0, d1) -> (0, 0)>
module attributes {stable_mosaic.version = 14 : i64} {
  func.func @sel(%arg0: i32, %arg1: i32, %arg2: memref<1x8192xf32, #tpu.memory_space<hbm>>, %arg3: memref<1x16xi32, #tpu.memory_space<hbm>>, %arg4: memref<1x16xi32, #tpu.memory_space<hbm>>, %arg5: memref<8192xf32, #tpu.memory_space<vmem>>, %arg6: memref<16xi32, #tpu.memory_space<vmem>>, %arg7: memref<16xi32, #tpu.memory_space<vmem>>, %arg8: memref<!tpu.dma_semaphore, #tpu.memory_space<semaphore_mem>>) attributes {dimension_semantics = [#tpu.dimension_semantics<core_parallel>, #tpu.dimension_semantics<subcore_parallel>], iteration_bounds = array<i64: 2, 16>, scalar_prefetch = 0 : i64, scratch_operands = 4 : i64, tpu.core_type = #tpu.core_type<sc_vector_subcore>, window_params = [{transform_indices = #map}, {transform_indices = #map}, {transform_indices = #map}]} {
    %eq3A = arith.constant 0 : i32
    %eq3A_0 = arith.cmpi eq, %arg0, %eq3A : i32
    %eq3A_1 = arith.constant 0 : i32
    %eq3A_2 = arith.cmpi eq, %arg1, %eq3A_1 : i32
    %and3A = arith.andi %eq3A_0, %eq3A_2 : i1
    %convert_element_type3A = arith.extui %and3A : i1 to i32
    %cond3A = arith.constant 0 : i32
    %cond3A_3 = arith.cmpi ne, %convert_element_type3A, %cond3A : i32
    scf.if %cond3A_3 {
      %dma_start3A = arith.constant 0 : i32
      %dma_start3A_4 = arith.constant 0 : i32
      %dma_start3A_5 = tpu.memref_slice %arg2[%dma_start3A, %dma_start3A_4] : memref<1x8192xf32, #tpu.memory_space<hbm>> -> memref<1x8192xf32, #tpu.memory_space<hbm>>
      %dma_start3A_6 = tpu.memref_squeeze %dma_start3A_5 : memref<1x8192xf32, #tpu.memory_space<hbm>> -> memref<8192xf32, #tpu.memory_space<hbm>>
      %dma_start3A_7 = arith.constant 0 : i32
      %dma_start3A_8 = tpu.memref_slice %arg2[%dma_start3A, %dma_start3A_7] : memref<1x8192xf32, #tpu.memory_space<hbm>> -> memref<1x8192xf32, #tpu.memory_space<hbm>>
      %dma_start3A_9 = tpu.memref_squeeze %dma_start3A_8 : memref<1x8192xf32, #tpu.memory_space<hbm>> -> memref<8192xf32, #tpu.memory_space<hbm>>
      tpu.enqueue_dma source(%dma_start3A_9 : memref<8192xf32, #tpu.memory_space<hbm>>) target(%arg5 : memref<8192xf32, #tpu.memory_space<vmem>>) target_semaphore(%arg8 : memref<!tpu.dma_semaphore, #tpu.memory_space<semaphore_mem>>)
      %dma_wait3A = arith.constant 0 : i32
      %dma_wait3A_10 = arith.constant 0 : i32
      %dma_wait3A_11 = tpu.memref_slice %arg2[%dma_wait3A, %dma_wait3A_10] : memref<1x8192xf32, #tpu.memory_space<hbm>> -> memref<1x8192xf32, #tpu.memory_space<hbm>>
      %dma_wait3A_12 = tpu.memref_squeeze %dma_wait3A_11 : memref<1x8192xf32, #tpu.memory_space<hbm>> -> memref<8192xf32, #tpu.memory_space<hbm>>
      %dma_wait3A_13 = arith.constant 0 : i32
      %dma_wait3A_14 = tpu.memref_slice %arg2[%dma_wait3A, %dma_wait3A_13] : memref<1x8192xf32, #tpu.memory_space<hbm>> -> memref<1x8192xf32, #tpu.memory_space<hbm>>
      %dma_wait3A_15 = tpu.memref_squeeze %dma_wait3A_14 : memref<1x8192xf32, #tpu.memory_space<hbm>> -> memref<8192xf32, #tpu.memory_space<hbm>>
      tpu.wait_dma2 semaphore(%arg8 : memref<!tpu.dma_semaphore, #tpu.memory_space<semaphore_mem>>) src(%dma_wait3A_15 : memref<8192xf32, #tpu.memory_space<hbm>>) dst(%arg5 : memref<8192xf32, #tpu.memory_space<vmem>>)
      %dma_start3A_16 = arith.constant 0 : i32
      %dma_start3A_17 = arith.constant 0 : i32
      %dma_start3A_18 = tpu.memref_slice %arg3[%dma_start3A_16, %dma_start3A_17] : memref<1x16xi32, #tpu.memory_space<hbm>> -> memref<1x16xi32, #tpu.memory_space<hbm>>
      %dma_start3A_19 = tpu.memref_squeeze %dma_start3A_18 : memref<1x16xi32, #tpu.memory_space<hbm>> -> memref<16xi32, #tpu.memory_space<hbm>>
      %dma_start3A_20 = arith.constant 0 : i32
      %dma_start3A_21 = tpu.memref_slice %arg3[%dma_start3A_16, %dma_start3A_20] : memref<1x16xi32, #tpu.memory_space<hbm>> -> memref<1x16xi32, #tpu.memory_space<hbm>>
      %dma_start3A_22 = tpu.memref_squeeze %dma_start3A_21 : memref<1x16xi32, #tpu.memory_space<hbm>> -> memref<16xi32, #tpu.memory_space<hbm>>
      tpu.enqueue_dma source(%dma_start3A_22 : memref<16xi32, #tpu.memory_space<hbm>>) target(%arg6 : memref<16xi32, #tpu.memory_space<vmem>>) target_semaphore(%arg8 : memref<!tpu.dma_semaphore, #tpu.memory_space<semaphore_mem>>)
      %dma_wait3A_23 = arith.constant 0 : i32
      %dma_wait3A_24 = arith.constant 0 : i32
      %dma_wait3A_25 = tpu.memref_slice %arg3[%dma_wait3A_23, %dma_wait3A_24] : memref<1x16xi32, #tpu.memory_space<hbm>> -> memref<1x16xi32, #tpu.memory_space<hbm>>
      %dma_wait3A_26 = tpu.memref_squeeze %dma_wait3A_25 : memref<1x16xi32, #tpu.memory_space<hbm>> -> memref<16xi32, #tpu.memory_space<hbm>>
      %dma_wait3A_27 = arith.constant 0 : i32
      %dma_wait3A_28 = tpu.memref_slice %arg3[%dma_wait3A_23, %dma_wait3A_27] : memref<1x16xi32, #tpu.memory_space<hbm>> -> memref<1x16xi32, #tpu.memory_space<hbm>>
      %dma_wait3A_29 = tpu.memref_squeeze %dma_wait3A_28 : memref<1x16xi32, #tpu.memory_space<hbm>> -> memref<16xi32, #tpu.memory_space<hbm>>
      tpu.wait_dma2 semaphore(%arg8 : memref<!tpu.dma_semaphore, #tpu.memory_space<semaphore_mem>>) src(%dma_wait3A_29 : memref<16xi32, #tpu.memory_space<hbm>>) dst(%arg6 : memref<16xi32, #tpu.memory_space<vmem>>)
      %get3A = arith.constant 0 : index
      %get3A_30 = tpu.vector_load %arg6[%get3A] {strides = array<i32>} : memref<16xi32, #tpu.memory_space<vmem>>, vector<16xi32>,
      %slice3A = vector.extract_strided_slice %get3A_30 {offsets = [0], sizes = [1], strides = [1]} : vector<16xi32> to vector<1xi32>
      %squeeze3A = vector.extract %slice3A[0] : i32 from vector<1xi32>
      %scan3A = arith.constant 0 : i32
      %scan3A_31 = arith.constant 0 : i32
      %scan3A_32 = arith.constant 31 : i32
      %scan3A_33 = arith.addi %scan3A_31, %scan3A_32 : i32
      %scan3A_34 = arith.constant 1 : i32
      %scan3A_35 = scf.for %scan3A_52 = %scan3A_31 to %scan3A_33 step %scan3A_34 iter_args(%scan3A_53 = %scan3A) -> (i32)  : i32 {
        %sub3A = arith.constant 30 : i32
        %sub3A_54 = arith.subi %sub3A, %scan3A_52 : i32
        %shift_left3A = arith.constant 1 : i32
        %shift_left3A_55 = arith.shli %shift_left3A, %sub3A_54 : i32
        %or3A = arith.ori %scan3A_53, %shift_left3A_55 : i32
        %broadcast_in_dim3A_56 = arith.constant 0 : i32
        %broadcast_in_dim3A_57 = vector.broadcast %broadcast_in_dim3A_56 : i32 to vector<16xi32>
        %scan3A_58 = arith.constant 0 : i32
        %scan3A_59 = arith.constant 512 : i32
        %scan3A_60 = arith.addi %scan3A_58, %scan3A_59 : i32
        %scan3A_61 = arith.constant 1 : i32
        %scan3A_62 = scf.for %scan3A_67 = %scan3A_58 to %scan3A_60 step %scan3A_61 iter_args(%scan3A_68 = %broadcast_in_dim3A_57) -> (vector<16xi32>)  : i32 {
          %mul3A = arith.constant 16 : i32
          %mul3A_69 = arith.muli %scan3A_67, %mul3A : i32
          %get3A_70 = arith.index_cast %mul3A_69 : i32 to index
          %get3A_71 = tpu.vector_load %arg5[%get3A_70] {strides = array<i32>} : memref<8192xf32, #tpu.memory_space<vmem>>, vector<16xf32>,
          %bitcast_convert_type3A = tpu.bitcast %get3A_71 : vector<16xf32> -> vector<16xi32>
          %ge3A_72 = vector.broadcast %or3A : i32 to vector<16xi32>
          %ge3A_73 = arith.cmpi sge, %bitcast_convert_type3A, %ge3A_72 : vector<16xi32>
          %jit3A = arith.constant 1 : i32
          %jit3A_74 = arith.constant 0 : i32
          %broadcast_in_dim3A_75 = vector.broadcast %jit3A : i32 to vector<16xi32>
          %broadcast_in_dim3A_76 = vector.broadcast %jit3A_74 : i32 to vector<16xi32>
          %select_n3A_77 = arith.select %ge3A_73, %broadcast_in_dim3A_75, %broadcast_in_dim3A_76 : vector<16xi1>, vector<16xi32>
          %add3A = arith.addi %scan3A_68, %select_n3A_77 : vector<16xi32>
          scf.yield %add3A : vector<16xi32>
        }
        %scan3A_63 = arith.constant 512 : i32
        %reduce_sum3A = arith.constant true
        %reduce_sum3A_64 = vector.broadcast %reduce_sum3A : i1 to vector<16xi1>
        %reduce_sum3A_65 = tpu.scan <sum>, %scan3A_62 masked %reduce_sum3A_64 : vector<16xi32>, vector<16xi1> -> vector<16xi32>
        %reduce_sum3A_66 = vector.extract %reduce_sum3A_65[15] : i32 from vector<16xi32>
        %ge3A = arith.cmpi sge, %reduce_sum3A_66, %squeeze3A : i32
        %select_n3A = arith.select %ge3A, %or3A, %scan3A_53 : i32
        scf.yield %select_n3A : i32
      }
      %scan3A_36 = arith.constant 31 : i32
      %broadcast_in_dim3A = vector.broadcast %scan3A_35 : i32 to vector<16xi32>
      %swap3A = arith.constant 0 : index
      %swap3A_37 = tpu.vector_load %arg7[%swap3A] {strides = array<i32>} : memref<16xi32, #tpu.memory_space<vmem>>, vector<16xi32>,
      tpu.vector_store %arg7[%swap3A], %broadcast_in_dim3A {strides = array<i32>} : memref<16xi32, #tpu.memory_space<vmem>>, vector<16xi32>,
      %dma_start3A_38 = arith.constant 0 : i32
      %dma_start3A_39 = arith.constant 0 : i32
      %dma_start3A_40 = tpu.memref_slice %arg4[%dma_start3A_38, %dma_start3A_39] : memref<1x16xi32, #tpu.memory_space<hbm>> -> memref<1x16xi32, #tpu.memory_space<hbm>>
      %dma_start3A_41 = tpu.memref_squeeze %dma_start3A_40 : memref<1x16xi32, #tpu.memory_space<hbm>> -> memref<16xi32, #tpu.memory_space<hbm>>
      %dma_start3A_42 = arith.constant 0 : i32
      %dma_start3A_43 = tpu.memref_slice %arg4[%dma_start3A_38, %dma_start3A_42] : memref<1x16xi32, #tpu.memory_space<hbm>> -> memref<1x16xi32, #tpu.memory_space<hbm>>
      %dma_start3A_44 = tpu.memref_squeeze %dma_start3A_43 : memref<1x16xi32, #tpu.memory_space<hbm>> -> memref<16xi32, #tpu.memory_space<hbm>>
      tpu.enqueue_dma source(%arg7 : memref<16xi32, #tpu.memory_space<vmem>>) target(%dma_start3A_44 : memref<16xi32, #tpu.memory_space<hbm>>) target_semaphore(%arg8 : memref<!tpu.dma_semaphore, #tpu.memory_space<semaphore_mem>>)
      %dma_wait3A_45 = arith.constant 0 : i32
      %dma_wait3A_46 = arith.constant 0 : i32
      %dma_wait3A_47 = tpu.memref_slice %arg4[%dma_wait3A_45, %dma_wait3A_46] : memref<1x16xi32, #tpu.memory_space<hbm>> -> memref<1x16xi32, #tpu.memory_space<hbm>>
      %dma_wait3A_48 = tpu.memref_squeeze %dma_wait3A_47 : memref<1x16xi32, #tpu.memory_space<hbm>> -> memref<16xi32, #tpu.memory_space<hbm>>
      %dma_wait3A_49 = arith.constant 0 : i32
      %dma_wait3A_50 = tpu.memref_slice %arg4[%dma_wait3A_45, %dma_wait3A_49] : memref<1x16xi32, #tpu.memory_space<hbm>> -> memref<1x16xi32, #tpu.memory_space<hbm>>
      %dma_wait3A_51 = tpu.memref_squeeze %dma_wait3A_50 : memref<1x16xi32, #tpu.memory_space<hbm>> -> memref<16xi32, #tpu.memory_space<hbm>>
      tpu.wait_dma2 semaphore(%arg8 : memref<!tpu.dma_semaphore, #tpu.memory_space<semaphore_mem>>) src(%arg7 : memref<16xi32, #tpu.memory_space<vmem>>) dst(%dma_wait3A_51 : memref<16xi32, #tpu.memory_space<hbm>>)
    } else {
    }
    return
  }
}

#map = affine_map<(d0, d1) -> (0, 0)>
module attributes {stable_mosaic.version = 14 : i64} {
  func.func @sel(%arg0: i32, %arg1: i32, %arg2: memref<1x8192xf32, #tpu.memory_space<hbm>>, %arg3: memref<1x16xi32, #tpu.memory_space<hbm>>, %arg4: memref<1x16xi32, #tpu.memory_space<hbm>>, %arg5: memref<8192xf32, #tpu.memory_space<vmem>>, %arg6: memref<16xi32, #tpu.memory_space<vmem>>, %arg7: memref<16xi32, #tpu.memory_space<vmem>>, %arg8: memref<!tpu.dma_semaphore, #tpu.memory_space<semaphore_mem>>) attributes {dimension_semantics = [#tpu.dimension_semantics<core_parallel>, #tpu.dimension_semantics<subcore_parallel>], iteration_bounds = array<i64: 2, 16>, scalar_prefetch = 0 : i64, scratch_operands = 4 : i64, tpu.core_type = #tpu.core_type<sc_vector_subcore>, window_params = [{transform_indices = #map}, {transform_indices = #map}, {transform_indices = #map}]} {
    %eq3A = arith.constant 0 : i32
    %eq3A_0 = arith.cmpi eq, %arg0, %eq3A : i32
    %eq3A_1 = arith.constant 0 : i32
    %eq3A_2 = arith.cmpi eq, %arg1, %eq3A_1 : i32
    %and3A = arith.andi %eq3A_0, %eq3A_2 : i1
    %convert_element_type3A = arith.extui %and3A : i1 to i32
    %cond3A = arith.constant 0 : i32
    %cond3A_3 = arith.cmpi ne, %convert_element_type3A, %cond3A : i32
    scf.if %cond3A_3 {
      %dma_start3A = arith.constant 0 : i32
      %dma_start3A_4 = arith.constant 0 : i32
      %dma_start3A_5 = tpu.memref_slice %arg2[%dma_start3A, %dma_start3A_4] : memref<1x8192xf32, #tpu.memory_space<hbm>> -> memref<1x8192xf32, #tpu.memory_space<hbm>>
      %dma_start3A_6 = tpu.memref_squeeze %dma_start3A_5 : memref<1x8192xf32, #tpu.memory_space<hbm>> -> memref<8192xf32, #tpu.memory_space<hbm>>
      %dma_start3A_7 = arith.constant 0 : i32
      %dma_start3A_8 = tpu.memref_slice %arg2[%dma_start3A, %dma_start3A_7] : memref<1x8192xf32, #tpu.memory_space<hbm>> -> memref<1x8192xf32, #tpu.memory_space<hbm>>
      %dma_start3A_9 = tpu.memref_squeeze %dma_start3A_8 : memref<1x8192xf32, #tpu.memory_space<hbm>> -> memref<8192xf32, #tpu.memory_space<hbm>>
      tpu.enqueue_dma source(%dma_start3A_9 : memref<8192xf32, #tpu.memory_space<hbm>>) target(%arg5 : memref<8192xf32, #tpu.memory_space<vmem>>) target_semaphore(%arg8 : memref<!tpu.dma_semaphore, #tpu.memory_space<semaphore_mem>>)
      %dma_wait3A = arith.constant 0 : i32
      %dma_wait3A_10 = arith.constant 0 : i32
      %dma_wait3A_11 = tpu.memref_slice %arg2[%dma_wait3A, %dma_wait3A_10] : memref<1x8192xf32, #tpu.memory_space<hbm>> -> memref<1x8192xf32, #tpu.memory_space<hbm>>
      %dma_wait3A_12 = tpu.memref_squeeze %dma_wait3A_11 : memref<1x8192xf32, #tpu.memory_space<hbm>> -> memref<8192xf32, #tpu.memory_space<hbm>>
      %dma_wait3A_13 = arith.constant 0 : i32
      %dma_wait3A_14 = tpu.memref_slice %arg2[%dma_wait3A, %dma_wait3A_13] : memref<1x8192xf32, #tpu.memory_space<hbm>> -> memref<1x8192xf32, #tpu.memory_space<hbm>>
      %dma_wait3A_15 = tpu.memref_squeeze %dma_wait3A_14 : memref<1x8192xf32, #tpu.memory_space<hbm>> -> memref<8192xf32, #tpu.memory_space<hbm>>
      tpu.wait_dma2 semaphore(%arg8 : memref<!tpu.dma_semaphore, #tpu.memory_space<semaphore_mem>>) src(%dma_wait3A_15 : memref<8192xf32, #tpu.memory_space<hbm>>) dst(%arg5 : memref<8192xf32, #tpu.memory_space<vmem>>)
      %dma_start3A_16 = arith.constant 0 : i32
      %dma_start3A_17 = arith.constant 0 : i32
      %dma_start3A_18 = tpu.memref_slice %arg3[%dma_start3A_16, %dma_start3A_17] : memref<1x16xi32, #tpu.memory_space<hbm>> -> memref<1x16xi32, #tpu.memory_space<hbm>>
      %dma_start3A_19 = tpu.memref_squeeze %dma_start3A_18 : memref<1x16xi32, #tpu.memory_space<hbm>> -> memref<16xi32, #tpu.memory_space<hbm>>
      %dma_start3A_20 = arith.constant 0 : i32
      %dma_start3A_21 = tpu.memref_slice %arg3[%dma_start3A_16, %dma_start3A_20] : memref<1x16xi32, #tpu.memory_space<hbm>> -> memref<1x16xi32, #tpu.memory_space<hbm>>
      %dma_start3A_22 = tpu.memref_squeeze %dma_start3A_21 : memref<1x16xi32, #tpu.memory_space<hbm>> -> memref<16xi32, #tpu.memory_space<hbm>>
      tpu.enqueue_dma source(%dma_start3A_22 : memref<16xi32, #tpu.memory_space<hbm>>) target(%arg6 : memref<16xi32, #tpu.memory_space<vmem>>) target_semaphore(%arg8 : memref<!tpu.dma_semaphore, #tpu.memory_space<semaphore_mem>>)
      %dma_wait3A_23 = arith.constant 0 : i32
      %dma_wait3A_24 = arith.constant 0 : i32
      %dma_wait3A_25 = tpu.memref_slice %arg3[%dma_wait3A_23, %dma_wait3A_24] : memref<1x16xi32, #tpu.memory_space<hbm>> -> memref<1x16xi32, #tpu.memory_space<hbm>>
      %dma_wait3A_26 = tpu.memref_squeeze %dma_wait3A_25 : memref<1x16xi32, #tpu.memory_space<hbm>> -> memref<16xi32, #tpu.memory_space<hbm>>
      %dma_wait3A_27 = arith.constant 0 : i32
      %dma_wait3A_28 = tpu.memref_slice %arg3[%dma_wait3A_23, %dma_wait3A_27] : memref<1x16xi32, #tpu.memory_space<hbm>> -> memref<1x16xi32, #tpu.memory_space<hbm>>
      %dma_wait3A_29 = tpu.memref_squeeze %dma_wait3A_28 : memref<1x16xi32, #tpu.memory_space<hbm>> -> memref<16xi32, #tpu.memory_space<hbm>>
      tpu.wait_dma2 semaphore(%arg8 : memref<!tpu.dma_semaphore, #tpu.memory_space<semaphore_mem>>) src(%dma_wait3A_29 : memref<16xi32, #tpu.memory_space<hbm>>) dst(%arg6 : memref<16xi32, #tpu.memory_space<vmem>>)
      %get3A = arith.constant 0 : index
      %get3A_30 = tpu.vector_load %arg6[%get3A] {strides = array<i32>} : memref<16xi32, #tpu.memory_space<vmem>>, vector<16xi32>,
      %slice3A = vector.extract_strided_slice %get3A_30 {offsets = [0], sizes = [1], strides = [1]} : vector<16xi32> to vector<1xi32>
      %squeeze3A = vector.extract %slice3A[0] : i32 from vector<1xi32>
      %scan3A = arith.constant 0 : i32
      %scan3A_31 = arith.constant 0 : i32
      %scan3A_32 = arith.constant 31 : i32
      %scan3A_33 = arith.addi %scan3A_31, %scan3A_32 : i32
      %scan3A_34 = arith.constant 1 : i32
      %scan3A_35 = scf.for %scan3A_52 = %scan3A_31 to %scan3A_33 step %scan3A_34 iter_args(%scan3A_53 = %scan3A) -> (i32)  : i32 {
        %sub3A = arith.constant 30 : i32
        %sub3A_54 = arith.subi %sub3A, %scan3A_52 : i32
        %shift_left3A = arith.constant 1 : i32
        %shift_left3A_55 = arith.shli %shift_left3A, %sub3A_54 : i32
        %or3A = arith.ori %scan3A_53, %shift_left3A_55 : i32
        %broadcast_in_dim3A_56 = arith.constant 0 : i32
        %broadcast_in_dim3A_57 = vector.broadcast %broadcast_in_dim3A_56 : i32 to vector<16xi32>
        %scan3A_58 = arith.constant 0 : i32
        %scan3A_59 = arith.constant 512 : i32
        %scan3A_60 = arith.addi %scan3A_58, %scan3A_59 : i32
        %scan3A_61 = arith.constant 1 : i32
        %scan3A_62 = scf.for %scan3A_67 = %scan3A_58 to %scan3A_60 step %scan3A_61 iter_args(%scan3A_68 = %broadcast_in_dim3A_57) -> (vector<16xi32>)  : i32 {
          %mul3A = arith.constant 16 : i32
          %mul3A_69 = arith.muli %scan3A_67, %mul3A : i32
          %get3A_70 = arith.index_cast %mul3A_69 : i32 to index
          %get3A_71 = tpu.vector_load %arg5[%get3A_70] {strides = array<i32>} : memref<8192xf32, #tpu.memory_space<vmem>>, vector<16xf32>,
          %bitcast_convert_type3A = tpu.bitcast %get3A_71 : vector<16xf32> -> vector<16xi32>
          %ge3A_72 = vector.broadcast %or3A : i32 to vector<16xi32>
          %ge3A_73 = arith.cmpi sge, %bitcast_convert_type3A, %ge3A_72 : vector<16xi32>
          %jit3A = arith.constant 1 : i32
          %jit3A_74 = arith.constant 0 : i32
          %broadcast_in_dim3A_75 = vector.broadcast %jit3A : i32 to vector<16xi32>
          %broadcast_in_dim3A_76 = vector.broadcast %jit3A_74 : i32 to vector<16xi32>
          %select_n3A_77 = arith.select %ge3A_73, %broadcast_in_dim3A_75, %broadcast_in_dim3A_76 : vector<16xi1>, vector<16xi32>
          %add3A = arith.addi %scan3A_68, %select_n3A_77 : vector<16xi32>
          scf.yield %add3A : vector<16xi32>
        }
        %scan3A_63 = arith.constant 512 : i32
        %reduce_sum3A = arith.constant true
        %reduce_sum3A_64 = vector.broadcast %reduce_sum3A : i1 to vector<16xi1>
        %reduce_sum3A_65 = tpu.scan <sum>, %scan3A_62 masked %reduce_sum3A_64 : vector<16xi32>, vector<16xi1> -> vector<16xi32>
        %reduce_sum3A_66 = vector.extract %reduce_sum3A_65[15] : i32 from vector<16xi32>
        %ge3A = arith.cmpi sge, %reduce_sum3A_66, %squeeze3A : i32
        %select_n3A = arith.select %ge3A, %or3A, %scan3A_53 : i32
        scf.yield %select_n3A : i32
      }
      %scan3A_36 = arith.constant 31 : i32
      %broadcast_in_dim3A = vector.broadcast %scan3A_35 : i32 to vector<16xi32>
      %swap3A = arith.constant 0 : index
      %swap3A_37 = tpu.vector_load %arg7[%swap3A] {strides = array<i32>} : memref<16xi32, #tpu.memory_space<vmem>>, vector<16xi32>,
      tpu.vector_store %arg7[%swap3A], %broadcast_in_dim3A {strides = array<i32>} : memref<16xi32, #tpu.memory_space<vmem>>, vector<16xi32>,
      %dma_start3A_38 = arith.constant 0 : i32
      %dma_start3A_39 = arith.constant 0 : i32
      %dma_start3A_40 = tpu.memref_slice %arg4[%dma_start3A_38, %dma_start3A_39] : memref<1x16xi32, #tpu.memory_space<hbm>> -> memref<1x16xi32, #tpu.memory_space<hbm>>
      %dma_start3A_41 = tpu.memref_squeeze %dma_start3A_40 : memref<1x16xi32, #tpu.memory_space<hbm>> -> memref<16xi32, #tpu.memory_space<hbm>>
      %dma_start3A_42 = arith.constant 0 : i32
      %dma_start3A_43 = tpu.memref_slice %arg4[%dma_start3A_38, %dma_start3A_42] : memref<1x16xi32, #tpu.memory_space<hbm>> -> memref<1x16xi32, #tpu.memory_space<hbm>>
      %dma_start3A_44 = tpu.memref_squeeze %dma_start3A_43 : memref<1x16xi32, #tpu.memory_space<hbm>> -> memref<16xi32, #tpu.memory_space<hbm>>
      tpu.enqueue_dma source(%arg7 : memref<16xi32, #tpu.memory_space<vmem>>) target(%dma_start3A_44 : memref<16xi32, #tpu.memory_space<hbm>>) target_semaphore(%arg8 : memref<!tpu.dma_semaphore, #tpu.memory_space<semaphore_mem>>)
      %dma_wait3A_45 = arith.constant 0 : i32
      %dma_wait3A_46 = arith.constant 0 : i32
      %dma_wait3A_47 = tpu.memref_slice %arg4[%dma_wait3A_45, %dma_wait3A_46] : memref<1x16xi32, #tpu.memory_space<hbm>> -> memref<1x16xi32, #tpu.memory_space<hbm>>
      %dma_wait3A_48 = tpu.memref_squeeze %dma_wait3A_47 : memref<1x16xi32, #tpu.memory_space<hbm>> -> memref<16xi32, #tpu.memory_space<hbm>>
      %dma_wait3A_49 = arith.constant 0 : i32
      %dma_wait3A_50 = tpu.memref_slice %arg4[%dma_wait3A_45, %dma_wait3A_49] : memref<1x16xi32, #tpu.memory_space<hbm>> -> memref<1x16xi32, #tpu.memory_space<hbm>>
      %dma_wait3A_51 = tpu.memref_squeeze %dma_wait3A_50 : memref<1x16xi32, #tpu.memory_space<hbm>> -> memref<16xi32, #tpu.memory_space<hbm>>
      tpu.wait_dma2 semaphore(%arg8 : memref<!tpu.dma_semaphore, #tpu.memory_space<semaphore_mem>>) src(%arg7 : memref<16xi32, #tpu.memory_space<vmem>>) dst(%dma_wait3A_51 : memref<16xi32, #tpu.memory_space<hbm>>)
    } else {
    }
    return
  }
}

#map = affine_map<(d0, d1) -> (0, 0)>
module attributes {stable_mosaic.version = 14 : i64} {
  func.func @sel(%arg0: i32, %arg1: i32, %arg2: memref<1x8192xf32, #tpu.memory_space<hbm>>, %arg3: memref<1x16xi32, #tpu.memory_space<hbm>>, %arg4: memref<1x16xi32, #tpu.memory_space<hbm>>, %arg5: memref<8192xf32, #tpu.memory_space<vmem>>, %arg6: memref<16xi32, #tpu.memory_space<vmem>>, %arg7: memref<16xi32, #tpu.memory_space<vmem>>, %arg8: memref<!tpu.dma_semaphore, #tpu.memory_space<semaphore_mem>>) attributes {dimension_semantics = [#tpu.dimension_semantics<core_parallel>, #tpu.dimension_semantics<subcore_parallel>], iteration_bounds = array<i64: 2, 16>, scalar_prefetch = 0 : i64, scratch_operands = 4 : i64, tpu.core_type = #tpu.core_type<sc_vector_subcore>, window_params = [{transform_indices = #map}, {transform_indices = #map}, {transform_indices = #map}]} {
    %eq3A = arith.constant 0 : i32
    %eq3A_0 = arith.cmpi eq, %arg0, %eq3A : i32
    %eq3A_1 = arith.constant 0 : i32
    %eq3A_2 = arith.cmpi eq, %arg1, %eq3A_1 : i32
    %and3A = arith.andi %eq3A_0, %eq3A_2 : i1
    %convert_element_type3A = arith.extui %and3A : i1 to i32
    %cond3A = arith.constant 0 : i32
    %cond3A_3 = arith.cmpi ne, %convert_element_type3A, %cond3A : i32
    scf.if %cond3A_3 {
      %dma_start3A = arith.constant 0 : i32
      %dma_start3A_4 = arith.constant 0 : i32
      %dma_start3A_5 = tpu.memref_slice %arg2[%dma_start3A, %dma_start3A_4] : memref<1x8192xf32, #tpu.memory_space<hbm>> -> memref<1x8192xf32, #tpu.memory_space<hbm>>
      %dma_start3A_6 = tpu.memref_squeeze %dma_start3A_5 : memref<1x8192xf32, #tpu.memory_space<hbm>> -> memref<8192xf32, #tpu.memory_space<hbm>>
      %dma_start3A_7 = arith.constant 0 : i32
      %dma_start3A_8 = tpu.memref_slice %arg2[%dma_start3A, %dma_start3A_7] : memref<1x8192xf32, #tpu.memory_space<hbm>> -> memref<1x8192xf32, #tpu.memory_space<hbm>>
      %dma_start3A_9 = tpu.memref_squeeze %dma_start3A_8 : memref<1x8192xf32, #tpu.memory_space<hbm>> -> memref<8192xf32, #tpu.memory_space<hbm>>
      tpu.enqueue_dma source(%dma_start3A_9 : memref<8192xf32, #tpu.memory_space<hbm>>) target(%arg5 : memref<8192xf32, #tpu.memory_space<vmem>>) target_semaphore(%arg8 : memref<!tpu.dma_semaphore, #tpu.memory_space<semaphore_mem>>)
      %dma_wait3A = arith.constant 0 : i32
      %dma_wait3A_10 = arith.constant 0 : i32
      %dma_wait3A_11 = tpu.memref_slice %arg2[%dma_wait3A, %dma_wait3A_10] : memref<1x8192xf32, #tpu.memory_space<hbm>> -> memref<1x8192xf32, #tpu.memory_space<hbm>>
      %dma_wait3A_12 = tpu.memref_squeeze %dma_wait3A_11 : memref<1x8192xf32, #tpu.memory_space<hbm>> -> memref<8192xf32, #tpu.memory_space<hbm>>
      %dma_wait3A_13 = arith.constant 0 : i32
      %dma_wait3A_14 = tpu.memref_slice %arg2[%dma_wait3A, %dma_wait3A_13] : memref<1x8192xf32, #tpu.memory_space<hbm>> -> memref<1x8192xf32, #tpu.memory_space<hbm>>
      %dma_wait3A_15 = tpu.memref_squeeze %dma_wait3A_14 : memref<1x8192xf32, #tpu.memory_space<hbm>> -> memref<8192xf32, #tpu.memory_space<hbm>>
      tpu.wait_dma2 semaphore(%arg8 : memref<!tpu.dma_semaphore, #tpu.memory_space<semaphore_mem>>) src(%dma_wait3A_15 : memref<8192xf32, #tpu.memory_space<hbm>>) dst(%arg5 : memref<8192xf32, #tpu.memory_space<vmem>>)
      %dma_start3A_16 = arith.constant 0 : i32
      %dma_start3A_17 = arith.constant 0 : i32
      %dma_start3A_18 = tpu.memref_slice %arg3[%dma_start3A_16, %dma_start3A_17] : memref<1x16xi32, #tpu.memory_space<hbm>> -> memref<1x16xi32, #tpu.memory_space<hbm>>
      %dma_start3A_19 = tpu.memref_squeeze %dma_start3A_18 : memref<1x16xi32, #tpu.memory_space<hbm>> -> memref<16xi32, #tpu.memory_space<hbm>>
      %dma_start3A_20 = arith.constant 0 : i32
      %dma_start3A_21 = tpu.memref_slice %arg3[%dma_start3A_16, %dma_start3A_20] : memref<1x16xi32, #tpu.memory_space<hbm>> -> memref<1x16xi32, #tpu.memory_space<hbm>>
      %dma_start3A_22 = tpu.memref_squeeze %dma_start3A_21 : memref<1x16xi32, #tpu.memory_space<hbm>> -> memref<16xi32, #tpu.memory_space<hbm>>
      tpu.enqueue_dma source(%dma_start3A_22 : memref<16xi32, #tpu.memory_space<hbm>>) target(%arg6 : memref<16xi32, #tpu.memory_space<vmem>>) target_semaphore(%arg8 : memref<!tpu.dma_semaphore, #tpu.memory_space<semaphore_mem>>)
      %dma_wait3A_23 = arith.constant 0 : i32
      %dma_wait3A_24 = arith.constant 0 : i32
      %dma_wait3A_25 = tpu.memref_slice %arg3[%dma_wait3A_23, %dma_wait3A_24] : memref<1x16xi32, #tpu.memory_space<hbm>> -> memref<1x16xi32, #tpu.memory_space<hbm>>
      %dma_wait3A_26 = tpu.memref_squeeze %dma_wait3A_25 : memref<1x16xi32, #tpu.memory_space<hbm>> -> memref<16xi32, #tpu.memory_space<hbm>>
      %dma_wait3A_27 = arith.constant 0 : i32
      %dma_wait3A_28 = tpu.memref_slice %arg3[%dma_wait3A_23, %dma_wait3A_27] : memref<1x16xi32, #tpu.memory_space<hbm>> -> memref<1x16xi32, #tpu.memory_space<hbm>>
      %dma_wait3A_29 = tpu.memref_squeeze %dma_wait3A_28 : memref<1x16xi32, #tpu.memory_space<hbm>> -> memref<16xi32, #tpu.memory_space<hbm>>
      tpu.wait_dma2 semaphore(%arg8 : memref<!tpu.dma_semaphore, #tpu.memory_space<semaphore_mem>>) src(%dma_wait3A_29 : memref<16xi32, #tpu.memory_space<hbm>>) dst(%arg6 : memref<16xi32, #tpu.memory_space<vmem>>)
      %get3A = arith.constant 0 : index
      %get3A_30 = tpu.vector_load %arg6[%get3A] {strides = array<i32>} : memref<16xi32, #tpu.memory_space<vmem>>, vector<16xi32>,
      %slice3A = vector.extract_strided_slice %get3A_30 {offsets = [0], sizes = [1], strides = [1]} : vector<16xi32> to vector<1xi32>
      %squeeze3A = vector.extract %slice3A[0] : i32 from vector<1xi32>
      %scan3A = arith.constant 0 : i32
      %scan3A_31 = arith.constant 0 : i32
      %scan3A_32 = arith.constant 31 : i32
      %scan3A_33 = arith.addi %scan3A_31, %scan3A_32 : i32
      %scan3A_34 = arith.constant 1 : i32
      %scan3A_35 = scf.for %scan3A_52 = %scan3A_31 to %scan3A_33 step %scan3A_34 iter_args(%scan3A_53 = %scan3A) -> (i32)  : i32 {
        %sub3A = arith.constant 30 : i32
        %sub3A_54 = arith.subi %sub3A, %scan3A_52 : i32
        %shift_left3A = arith.constant 1 : i32
        %shift_left3A_55 = arith.shli %shift_left3A, %sub3A_54 : i32
        %or3A = arith.ori %scan3A_53, %shift_left3A_55 : i32
        %broadcast_in_dim3A_56 = arith.constant 0 : i32
        %broadcast_in_dim3A_57 = vector.broadcast %broadcast_in_dim3A_56 : i32 to vector<16xi32>
        %scan3A_58 = arith.constant 0 : i32
        %scan3A_59 = arith.constant 512 : i32
        %scan3A_60 = arith.addi %scan3A_58, %scan3A_59 : i32
        %scan3A_61 = arith.constant 1 : i32
        %scan3A_62 = scf.for %scan3A_67 = %scan3A_58 to %scan3A_60 step %scan3A_61 iter_args(%scan3A_68 = %broadcast_in_dim3A_57) -> (vector<16xi32>)  : i32 {
          %mul3A = arith.constant 16 : i32
          %mul3A_69 = arith.muli %scan3A_67, %mul3A : i32
          %get3A_70 = arith.index_cast %mul3A_69 : i32 to index
          %get3A_71 = tpu.vector_load %arg5[%get3A_70] {strides = array<i32>} : memref<8192xf32, #tpu.memory_space<vmem>>, vector<16xf32>,
          %bitcast_convert_type3A = tpu.bitcast %get3A_71 : vector<16xf32> -> vector<16xi32>
          %ge3A_72 = vector.broadcast %or3A : i32 to vector<16xi32>
          %ge3A_73 = arith.cmpi sge, %bitcast_convert_type3A, %ge3A_72 : vector<16xi32>
          %jit3A = arith.constant 1 : i32
          %jit3A_74 = arith.constant 0 : i32
          %broadcast_in_dim3A_75 = vector.broadcast %jit3A : i32 to vector<16xi32>
          %broadcast_in_dim3A_76 = vector.broadcast %jit3A_74 : i32 to vector<16xi32>
          %select_n3A_77 = arith.select %ge3A_73, %broadcast_in_dim3A_75, %broadcast_in_dim3A_76 : vector<16xi1>, vector<16xi32>
          %add3A = arith.addi %scan3A_68, %select_n3A_77 : vector<16xi32>
          scf.yield %add3A : vector<16xi32>
        }
        %scan3A_63 = arith.constant 512 : i32
        %reduce_sum3A = arith.constant true
        %reduce_sum3A_64 = vector.broadcast %reduce_sum3A : i1 to vector<16xi1>
        %reduce_sum3A_65 = tpu.scan <sum>, %scan3A_62 masked %reduce_sum3A_64 : vector<16xi32>, vector<16xi1> -> vector<16xi32>
        %reduce_sum3A_66 = vector.extract %reduce_sum3A_65[15] : i32 from vector<16xi32>
        %ge3A = arith.cmpi sge, %reduce_sum3A_66, %squeeze3A : i32
        %select_n3A = arith.select %ge3A, %or3A, %scan3A_53 : i32
        scf.yield %select_n3A : i32
      }
      %scan3A_36 = arith.constant 31 : i32
      %broadcast_in_dim3A = vector.broadcast %scan3A_35 : i32 to vector<16xi32>
      %swap3A = arith.constant 0 : index
      %swap3A_37 = tpu.vector_load %arg7[%swap3A] {strides = array<i32>} : memref<16xi32, #tpu.memory_space<vmem>>, vector<16xi32>,
      tpu.vector_store %arg7[%swap3A], %broadcast_in_dim3A {strides = array<i32>} : memref<16xi32, #tpu.memory_space<vmem>>, vector<16xi32>,
      %dma_start3A_38 = arith.constant 0 : i32
      %dma_start3A_39 = arith.constant 0 : i32
      %dma_start3A_40 = tpu.memref_slice %arg4[%dma_start3A_38, %dma_start3A_39] : memref<1x16xi32, #tpu.memory_space<hbm>> -> memref<1x16xi32, #tpu.memory_space<hbm>>
      %dma_start3A_41 = tpu.memref_squeeze %dma_start3A_40 : memref<1x16xi32, #tpu.memory_space<hbm>> -> memref<16xi32, #tpu.memory_space<hbm>>
      %dma_start3A_42 = arith.constant 0 : i32
      %dma_start3A_43 = tpu.memref_slice %arg4[%dma_start3A_38, %dma_start3A_42] : memref<1x16xi32, #tpu.memory_space<hbm>> -> memref<1x16xi32, #tpu.memory_space<hbm>>
      %dma_start3A_44 = tpu.memref_squeeze %dma_start3A_43 : memref<1x16xi32, #tpu.memory_space<hbm>> -> memref<16xi32, #tpu.memory_space<hbm>>
      tpu.enqueue_dma source(%arg7 : memref<16xi32, #tpu.memory_space<vmem>>) target(%dma_start3A_44 : memref<16xi32, #tpu.memory_space<hbm>>) target_semaphore(%arg8 : memref<!tpu.dma_semaphore, #tpu.memory_space<semaphore_mem>>)
      %dma_wait3A_45 = arith.constant 0 : i32
      %dma_wait3A_46 = arith.constant 0 : i32
      %dma_wait3A_47 = tpu.memref_slice %arg4[%dma_wait3A_45, %dma_wait3A_46] : memref<1x16xi32, #tpu.memory_space<hbm>> -> memref<1x16xi32, #tpu.memory_space<hbm>>
      %dma_wait3A_48 = tpu.memref_squeeze %dma_wait3A_47 : memref<1x16xi32, #tpu.memory_space<hbm>> -> memref<16xi32, #tpu.memory_space<hbm>>
      %dma_wait3A_49 = arith.constant 0 : i32
      %dma_wait3A_50 = tpu.memref_slice %arg4[%dma_wait3A_45, %dma_wait3A_49] : memref<1x16xi32, #tpu.memory_space<hbm>> -> memref<1x16xi32, #tpu.memory_space<hbm>>
      %dma_wait3A_51 = tpu.memref_squeeze %dma_wait3A_50 : memref<1x16xi32, #tpu.memory_space<hbm>> -> memref<16xi32, #tpu.memory_space<hbm>>
      tpu.wait_dma2 semaphore(%arg8 : memref<!tpu.dma_semaphore, #tpu.memory_space<semaphore_mem>>) src(%arg7 : memref<16xi32, #tpu.memory_space<vmem>>) dst(%dma_wait3A_51 : memref<16xi32, #tpu.memory_space<hbm>>)
    } else {
    }
    return
  }
}

module attributes {stable_mosaic.version = 14 : i64} {
  func.func @_norms_body(%arg0: i32, %arg1: memref<1x1024x1024xf32, #tpu.memory_space<vmem>>, %arg2: memref<1x1024xf32, #tpu.memory_space<vmem>>) attributes {dimension_semantics = [#tpu.dimension_semantics<arbitrary>], iteration_bounds = array<i64: 8>, scalar_prefetch = 0 : i64, scratch_operands = 0 : i64, tpu.core_type = #tpu.core_type<tc>, window_params = [{transform_indices = @transform_0, window_bounds = array<i64: 1, 1024, 1024>}, {transform_indices = @transform_1, window_bounds = array<i64: 1, 1024>}]} {
    %get3A = arith.constant 0 : index
    %get3A_0 = arith.constant 0 : index
    %get3A_1 = arith.constant 0 : index
    %get3A_2 = vector.load %arg1[%get3A, %get3A_0, %get3A_1] : memref<1x1024x1024xf32, #tpu.memory_space<vmem>>, vector<1x1024x1024xf32>
    %mul3A = arith.mulf %get3A_2, %get3A_2 : vector<1x1024x1024xf32>
    %slice3A = vector.extract_strided_slice %mul3A {offsets = [0, 0, 0], sizes = [1, 1024, 128], strides = [1, 1, 1]} : vector<1x1024x1024xf32> to vector<1x1024x128xf32>
    %slice3A_3 = vector.extract_strided_slice %mul3A {offsets = [0, 0, 128], sizes = [1, 1024, 128], strides = [1, 1, 1]} : vector<1x1024x1024xf32> to vector<1x1024x128xf32>
    %slice3A_4 = vector.extract_strided_slice %mul3A {offsets = [0, 0, 256], sizes = [1, 1024, 128], strides = [1, 1, 1]} : vector<1x1024x1024xf32> to vector<1x1024x128xf32>
    %slice3A_5 = vector.extract_strided_slice %mul3A {offsets = [0, 0, 384], sizes = [1, 1024, 128], strides = [1, 1, 1]} : vector<1x1024x1024xf32> to vector<1x1024x128xf32>
    %slice3A_6 = vector.extract_strided_slice %mul3A {offsets = [0, 0, 512], sizes = [1, 1024, 128], strides = [1, 1, 1]} : vector<1x1024x1024xf32> to vector<1x1024x128xf32>
    %slice3A_7 = vector.extract_strided_slice %mul3A {offsets = [0, 0, 640], sizes = [1, 1024, 128], strides = [1, 1, 1]} : vector<1x1024x1024xf32> to vector<1x1024x128xf32>
    %slice3A_8 = vector.extract_strided_slice %mul3A {offsets = [0, 0, 768], sizes = [1, 1024, 128], strides = [1, 1, 1]} : vector<1x1024x1024xf32> to vector<1x1024x128xf32>
    %slice3A_9 = vector.extract_strided_slice %mul3A {offsets = [0, 0, 896], sizes = [1, 1024, 128], strides = [1, 1, 1]} : vector<1x1024x1024xf32> to vector<1x1024x128xf32>
    %add3A = arith.addf %slice3A, %slice3A_3 : vector<1x1024x128xf32>
    %add3A_10 = arith.addf %slice3A_4, %slice3A_5 : vector<1x1024x128xf32>
    %add3A_11 = arith.addf %slice3A_6, %slice3A_7 : vector<1x1024x128xf32>
    %add3A_12 = arith.addf %slice3A_8, %slice3A_9 : vector<1x1024x128xf32>
    %add3A_13 = arith.addf %add3A, %add3A_10 : vector<1x1024x128xf32>
    %add3A_14 = arith.addf %add3A_11, %add3A_12 : vector<1x1024x128xf32>
    %add3A_15 = arith.addf %add3A_13, %add3A_14 : vector<1x1024x128xf32>
    %transpose3A = tpu.transpose %add3A_15, [0, 2, 1] : vector<1x1024x128xf32> -> vector<1x128x1024xf32>
    %slice3A_16 = vector.extract_strided_slice %transpose3A {offsets = [0, 0, 0], sizes = [1, 8, 1024], strides = [1, 1, 1]} : vector<1x128x1024xf32> to vector<1x8x1024xf32>
    %slice3A_17 = vector.extract_strided_slice %transpose3A {offsets = [0, 8, 0], sizes = [1, 8, 1024], strides = [1, 1, 1]} : vector<1x128x1024xf32> to vector<1x8x1024xf32>
    %add3A_18 = arith.addf %slice3A_16, %slice3A_17 : vector<1x8x1024xf32>
    %slice3A_19 = vector.extract_strided_slice %transpose3A {offsets = [0, 16, 0], sizes = [1, 8, 1024], strides = [1, 1, 1]} : vector<1x128x1024xf32> to vector<1x8x1024xf32>
    %add3A_20 = arith.addf %add3A_18, %slice3A_19 : vector<1x8x1024xf32>
    %slice3A_21 = vector.extract_strided_slice %transpose3A {offsets = [0, 24, 0], sizes = [1, 8, 1024], strides = [1, 1, 1]} : vector<1x128x1024xf32> to vector<1x8x1024xf32>
    %add3A_22 = arith.addf %add3A_20, %slice3A_21 : vector<1x8x1024xf32>
    %slice3A_23 = vector.extract_strided_slice %transpose3A {offsets = [0, 32, 0], sizes = [1, 8, 1024], strides = [1, 1, 1]} : vector<1x128x1024xf32> to vector<1x8x1024xf32>
    %add3A_24 = arith.addf %add3A_22, %slice3A_23 : vector<1x8x1024xf32>
    %slice3A_25 = vector.extract_strided_slice %transpose3A {offsets = [0, 40, 0], sizes = [1, 8, 1024], strides = [1, 1, 1]} : vector<1x128x1024xf32> to vector<1x8x1024xf32>
    %add3A_26 = arith.addf %add3A_24, %slice3A_25 : vector<1x8x1024xf32>
    %slice3A_27 = vector.extract_strided_slice %transpose3A {offsets = [0, 48, 0], sizes = [1, 8, 1024], strides = [1, 1, 1]} : vector<1x128x1024xf32> to vector<1x8x1024xf32>
    %add3A_28 = arith.addf %add3A_26, %slice3A_27 : vector<1x8x1024xf32>
    %slice3A_29 = vector.extract_strided_slice %transpose3A {offsets = [0, 56, 0], sizes = [1, 8, 1024], strides = [1, 1, 1]} : vector<1x128x1024xf32> to vector<1x8x1024xf32>
    %add3A_30 = arith.addf %add3A_28, %slice3A_29 : vector<1x8x1024xf32>
    %slice3A_31 = vector.extract_strided_slice %transpose3A {offsets = [0, 64, 0], sizes = [1, 8, 1024], strides = [1, 1, 1]} : vector<1x128x1024xf32> to vector<1x8x1024xf32>
    %add3A_32 = arith.addf %add3A_30, %slice3A_31 : vector<1x8x1024xf32>
    %slice3A_33 = vector.extract_strided_slice %transpose3A {offsets = [0, 72, 0], sizes = [1, 8, 1024], strides = [1, 1, 1]} : vector<1x128x1024xf32> to vector<1x8x1024xf32>
    %add3A_34 = arith.addf %add3A_32, %slice3A_33 : vector<1x8x1024xf32>
    %slice3A_35 = vector.extract_strided_slice %transpose3A {offsets = [0, 80, 0], sizes = [1, 8, 1024], strides = [1, 1, 1]} : vector<1x128x1024xf32> to vector<1x8x1024xf32>
    %add3A_36 = arith.addf %add3A_34, %slice3A_35 : vector<1x8x1024xf32>
    %slice3A_37 = vector.extract_strided_slice %transpose3A {offsets = [0, 88, 0], sizes = [1, 8, 1024], strides = [1, 1, 1]} : vector<1x128x1024xf32> to vector<1x8x1024xf32>
    %add3A_38 = arith.addf %add3A_36, %slice3A_37 : vector<1x8x1024xf32>
    %slice3A_39 = vector.extract_strided_slice %transpose3A {offsets = [0, 96, 0], sizes = [1, 8, 1024], strides = [1, 1, 1]} : vector<1x128x1024xf32> to vector<1x8x1024xf32>
    %add3A_40 = arith.addf %add3A_38, %slice3A_39 : vector<1x8x1024xf32>
    %slice3A_41 = vector.extract_strided_slice %transpose3A {offsets = [0, 104, 0], sizes = [1, 8, 1024], strides = [1, 1, 1]} : vector<1x128x1024xf32> to vector<1x8x1024xf32>
    %add3A_42 = arith.addf %add3A_40, %slice3A_41 : vector<1x8x1024xf32>
    %slice3A_43 = vector.extract_strided_slice %transpose3A {offsets = [0, 112, 0], sizes = [1, 8, 1024], strides = [1, 1, 1]} : vector<1x128x1024xf32> to vector<1x8x1024xf32>
    %add3A_44 = arith.addf %add3A_42, %slice3A_43 : vector<1x8x1024xf32>
    %slice3A_45 = vector.extract_strided_slice %transpose3A {offsets = [0, 120, 0], sizes = [1, 8, 1024], strides = [1, 1, 1]} : vector<1x128x1024xf32> to vector<1x8x1024xf32>
    %add3A_46 = arith.addf %add3A_44, %slice3A_45 : vector<1x8x1024xf32>
    %slice3A_47 = vector.extract_strided_slice %add3A_46 {offsets = [0, 0, 0], sizes = [1, 4, 1024], strides = [1, 1, 1]} : vector<1x8x1024xf32> to vector<1x4x1024xf32>
    %slice3A_48 = vector.extract_strided_slice %add3A_46 {offsets = [0, 4, 0], sizes = [1, 4, 1024], strides = [1, 1, 1]} : vector<1x8x1024xf32> to vector<1x4x1024xf32>
    %add3A_49 = arith.addf %slice3A_47, %slice3A_48 : vector<1x4x1024xf32>
    %slice3A_50 = vector.extract_strided_slice %add3A_49 {offsets = [0, 0, 0], sizes = [1, 2, 1024], strides = [1, 1, 1]} : vector<1x4x1024xf32> to vector<1x2x1024xf32>
    %slice3A_51 = vector.extract_strided_slice %add3A_49 {offsets = [0, 2, 0], sizes = [1, 2, 1024], strides = [1, 1, 1]} : vector<1x4x1024xf32> to vector<1x2x1024xf32>
    %add3A_52 = arith.addf %slice3A_50, %slice3A_51 : vector<1x2x1024xf32>
    %slice3A_53 = vector.extract_strided_slice %add3A_52 {offsets = [0, 0, 0], sizes = [1, 1, 1024], strides = [1, 1, 1]} : vector<1x2x1024xf32> to vector<1x1x1024xf32>
    %squeeze3A = vector.shape_cast %slice3A_53 : vector<1x1x1024xf32> to vector<1x1024xf32>
    %slice3A_54 = vector.extract_strided_slice %add3A_52 {offsets = [0, 1, 0], sizes = [1, 1, 1024], strides = [1, 1, 1]} : vector<1x2x1024xf32> to vector<1x1x1024xf32>
    %squeeze3A_55 = vector.shape_cast %slice3A_54 : vector<1x1x1024xf32> to vector<1x1024xf32>
    %add3A_56 = arith.addf %squeeze3A, %squeeze3A_55 : vector<1x1024xf32>
    %eq3A = arith.constant 0.000000e+00 : f32
    %eq3A_57 = vector.broadcast %eq3A : f32 to vector<1x1024xf32>
    %eq3A_58 = arith.cmpf oeq, %add3A_56, %eq3A_57 : vector<1x1024xf32>
    %rsqrt3A = math.rsqrt %add3A_56 : vector<1x1024xf32>
    %mul3A_59 = arith.mulf %add3A_56, %rsqrt3A : vector<1x1024xf32>
    %jit3A = arith.constant 0.000000e+00 : f32
    %broadcast_in_dim3A = vector.broadcast %jit3A : f32 to vector<1x1024xf32>
    %select_n3A = arith.select %eq3A_58, %broadcast_in_dim3A, %mul3A_59 : vector<1x1024xi1>, vector<1x1024xf32>
    %swap3A = arith.constant 0 : index
    %swap3A_60 = arith.constant 0 : index
    %swap3A_61 = vector.load %arg2[%swap3A, %swap3A_60] : memref<1x1024xf32, #tpu.memory_space<vmem>>, vector<1x1024xf32>
    tpu.vector_store %arg2[%swap3A, %swap3A_60], %select_n3A {strides = array<i32>} : memref<1x1024xf32, #tpu.memory_space<vmem>>, vector<1x1024xf32>,
    return
  }
  func.func @transform_0(%arg0: i32) -> (i32, i32, i32) {
    %c3_i32 = arith.constant 3 : i32
    %c0_i32 = arith.constant 0 : i32
    %c0_i32_0 = arith.constant 0 : i32
    return %c3_i32, %arg0, %c0_i32 : i32, i32, i32
  }
  func.func @transform_1(%arg0: i32) -> (i32, i32) {
    %c0_i32 = arith.constant 0 : i32
    %c0_i32_0 = arith.constant 0 : i32
    return %c0_i32, %arg0 : i32, i32
  }
}

module attributes {stable_mosaic.version = 14 : i64} {
  func.func @_norms_body(%arg0: i32, %arg1: memref<1x1024x1024xf32, #tpu.memory_space<vmem>>, %arg2: memref<1x1024xf32, #tpu.memory_space<vmem>>) attributes {dimension_semantics = [#tpu.dimension_semantics<arbitrary>], iteration_bounds = array<i64: 8>, scalar_prefetch = 0 : i64, scratch_operands = 0 : i64, tpu.core_type = #tpu.core_type<tc>, window_params = [{transform_indices = @transform_0, window_bounds = array<i64: 1, 1024, 1024>}, {transform_indices = @transform_1, window_bounds = array<i64: 1, 1024>}]} {
    %get3A = arith.constant 0 : index
    %get3A_0 = arith.constant 0 : index
    %get3A_1 = arith.constant 0 : index
    %get3A_2 = vector.load %arg1[%get3A, %get3A_0, %get3A_1] : memref<1x1024x1024xf32, #tpu.memory_space<vmem>>, vector<1x1024x1024xf32>
    %mul3A = arith.mulf %get3A_2, %get3A_2 : vector<1x1024x1024xf32>
    %slice3A = vector.extract_strided_slice %mul3A {offsets = [0, 0, 0], sizes = [1, 1024, 128], strides = [1, 1, 1]} : vector<1x1024x1024xf32> to vector<1x1024x128xf32>
    %slice3A_3 = vector.extract_strided_slice %mul3A {offsets = [0, 0, 128], sizes = [1, 1024, 128], strides = [1, 1, 1]} : vector<1x1024x1024xf32> to vector<1x1024x128xf32>
    %slice3A_4 = vector.extract_strided_slice %mul3A {offsets = [0, 0, 256], sizes = [1, 1024, 128], strides = [1, 1, 1]} : vector<1x1024x1024xf32> to vector<1x1024x128xf32>
    %slice3A_5 = vector.extract_strided_slice %mul3A {offsets = [0, 0, 384], sizes = [1, 1024, 128], strides = [1, 1, 1]} : vector<1x1024x1024xf32> to vector<1x1024x128xf32>
    %slice3A_6 = vector.extract_strided_slice %mul3A {offsets = [0, 0, 512], sizes = [1, 1024, 128], strides = [1, 1, 1]} : vector<1x1024x1024xf32> to vector<1x1024x128xf32>
    %slice3A_7 = vector.extract_strided_slice %mul3A {offsets = [0, 0, 640], sizes = [1, 1024, 128], strides = [1, 1, 1]} : vector<1x1024x1024xf32> to vector<1x1024x128xf32>
    %slice3A_8 = vector.extract_strided_slice %mul3A {offsets = [0, 0, 768], sizes = [1, 1024, 128], strides = [1, 1, 1]} : vector<1x1024x1024xf32> to vector<1x1024x128xf32>
    %slice3A_9 = vector.extract_strided_slice %mul3A {offsets = [0, 0, 896], sizes = [1, 1024, 128], strides = [1, 1, 1]} : vector<1x1024x1024xf32> to vector<1x1024x128xf32>
    %add3A = arith.addf %slice3A, %slice3A_3 : vector<1x1024x128xf32>
    %add3A_10 = arith.addf %slice3A_4, %slice3A_5 : vector<1x1024x128xf32>
    %add3A_11 = arith.addf %slice3A_6, %slice3A_7 : vector<1x1024x128xf32>
    %add3A_12 = arith.addf %slice3A_8, %slice3A_9 : vector<1x1024x128xf32>
    %add3A_13 = arith.addf %add3A, %add3A_10 : vector<1x1024x128xf32>
    %add3A_14 = arith.addf %add3A_11, %add3A_12 : vector<1x1024x128xf32>
    %add3A_15 = arith.addf %add3A_13, %add3A_14 : vector<1x1024x128xf32>
    %transpose3A = tpu.transpose %add3A_15, [0, 2, 1] : vector<1x1024x128xf32> -> vector<1x128x1024xf32>
    %slice3A_16 = vector.extract_strided_slice %transpose3A {offsets = [0, 0, 0], sizes = [1, 8, 1024], strides = [1, 1, 1]} : vector<1x128x1024xf32> to vector<1x8x1024xf32>
    %slice3A_17 = vector.extract_strided_slice %transpose3A {offsets = [0, 8, 0], sizes = [1, 8, 1024], strides = [1, 1, 1]} : vector<1x128x1024xf32> to vector<1x8x1024xf32>
    %add3A_18 = arith.addf %slice3A_16, %slice3A_17 : vector<1x8x1024xf32>
    %slice3A_19 = vector.extract_strided_slice %transpose3A {offsets = [0, 16, 0], sizes = [1, 8, 1024], strides = [1, 1, 1]} : vector<1x128x1024xf32> to vector<1x8x1024xf32>
    %add3A_20 = arith.addf %add3A_18, %slice3A_19 : vector<1x8x1024xf32>
    %slice3A_21 = vector.extract_strided_slice %transpose3A {offsets = [0, 24, 0], sizes = [1, 8, 1024], strides = [1, 1, 1]} : vector<1x128x1024xf32> to vector<1x8x1024xf32>
    %add3A_22 = arith.addf %add3A_20, %slice3A_21 : vector<1x8x1024xf32>
    %slice3A_23 = vector.extract_strided_slice %transpose3A {offsets = [0, 32, 0], sizes = [1, 8, 1024], strides = [1, 1, 1]} : vector<1x128x1024xf32> to vector<1x8x1024xf32>
    %add3A_24 = arith.addf %add3A_22, %slice3A_23 : vector<1x8x1024xf32>
    %slice3A_25 = vector.extract_strided_slice %transpose3A {offsets = [0, 40, 0], sizes = [1, 8, 1024], strides = [1, 1, 1]} : vector<1x128x1024xf32> to vector<1x8x1024xf32>
    %add3A_26 = arith.addf %add3A_24, %slice3A_25 : vector<1x8x1024xf32>
    %slice3A_27 = vector.extract_strided_slice %transpose3A {offsets = [0, 48, 0], sizes = [1, 8, 1024], strides = [1, 1, 1]} : vector<1x128x1024xf32> to vector<1x8x1024xf32>
    %add3A_28 = arith.addf %add3A_26, %slice3A_27 : vector<1x8x1024xf32>
    %slice3A_29 = vector.extract_strided_slice %transpose3A {offsets = [0, 56, 0], sizes = [1, 8, 1024], strides = [1, 1, 1]} : vector<1x128x1024xf32> to vector<1x8x1024xf32>
    %add3A_30 = arith.addf %add3A_28, %slice3A_29 : vector<1x8x1024xf32>
    %slice3A_31 = vector.extract_strided_slice %transpose3A {offsets = [0, 64, 0], sizes = [1, 8, 1024], strides = [1, 1, 1]} : vector<1x128x1024xf32> to vector<1x8x1024xf32>
    %add3A_32 = arith.addf %add3A_30, %slice3A_31 : vector<1x8x1024xf32>
    %slice3A_33 = vector.extract_strided_slice %transpose3A {offsets = [0, 72, 0], sizes = [1, 8, 1024], strides = [1, 1, 1]} : vector<1x128x1024xf32> to vector<1x8x1024xf32>
    %add3A_34 = arith.addf %add3A_32, %slice3A_33 : vector<1x8x1024xf32>
    %slice3A_35 = vector.extract_strided_slice %transpose3A {offsets = [0, 80, 0], sizes = [1, 8, 1024], strides = [1, 1, 1]} : vector<1x128x1024xf32> to vector<1x8x1024xf32>
    %add3A_36 = arith.addf %add3A_34, %slice3A_35 : vector<1x8x1024xf32>
    %slice3A_37 = vector.extract_strided_slice %transpose3A {offsets = [0, 88, 0], sizes = [1, 8, 1024], strides = [1, 1, 1]} : vector<1x128x1024xf32> to vector<1x8x1024xf32>
    %add3A_38 = arith.addf %add3A_36, %slice3A_37 : vector<1x8x1024xf32>
    %slice3A_39 = vector.extract_strided_slice %transpose3A {offsets = [0, 96, 0], sizes = [1, 8, 1024], strides = [1, 1, 1]} : vector<1x128x1024xf32> to vector<1x8x1024xf32>
    %add3A_40 = arith.addf %add3A_38, %slice3A_39 : vector<1x8x1024xf32>
    %slice3A_41 = vector.extract_strided_slice %transpose3A {offsets = [0, 104, 0], sizes = [1, 8, 1024], strides = [1, 1, 1]} : vector<1x128x1024xf32> to vector<1x8x1024xf32>
    %add3A_42 = arith.addf %add3A_40, %slice3A_41 : vector<1x8x1024xf32>
    %slice3A_43 = vector.extract_strided_slice %transpose3A {offsets = [0, 112, 0], sizes = [1, 8, 1024], strides = [1, 1, 1]} : vector<1x128x1024xf32> to vector<1x8x1024xf32>
    %add3A_44 = arith.addf %add3A_42, %slice3A_43 : vector<1x8x1024xf32>
    %slice3A_45 = vector.extract_strided_slice %transpose3A {offsets = [0, 120, 0], sizes = [1, 8, 1024], strides = [1, 1, 1]} : vector<1x128x1024xf32> to vector<1x8x1024xf32>
    %add3A_46 = arith.addf %add3A_44, %slice3A_45 : vector<1x8x1024xf32>
    %slice3A_47 = vector.extract_strided_slice %add3A_46 {offsets = [0, 0, 0], sizes = [1, 4, 1024], strides = [1, 1, 1]} : vector<1x8x1024xf32> to vector<1x4x1024xf32>
    %slice3A_48 = vector.extract_strided_slice %add3A_46 {offsets = [0, 4, 0], sizes = [1, 4, 1024], strides = [1, 1, 1]} : vector<1x8x1024xf32> to vector<1x4x1024xf32>
    %add3A_49 = arith.addf %slice3A_47, %slice3A_48 : vector<1x4x1024xf32>
    %slice3A_50 = vector.extract_strided_slice %add3A_49 {offsets = [0, 0, 0], sizes = [1, 2, 1024], strides = [1, 1, 1]} : vector<1x4x1024xf32> to vector<1x2x1024xf32>
    %slice3A_51 = vector.extract_strided_slice %add3A_49 {offsets = [0, 2, 0], sizes = [1, 2, 1024], strides = [1, 1, 1]} : vector<1x4x1024xf32> to vector<1x2x1024xf32>
    %add3A_52 = arith.addf %slice3A_50, %slice3A_51 : vector<1x2x1024xf32>
    %slice3A_53 = vector.extract_strided_slice %add3A_52 {offsets = [0, 0, 0], sizes = [1, 1, 1024], strides = [1, 1, 1]} : vector<1x2x1024xf32> to vector<1x1x1024xf32>
    %squeeze3A = vector.shape_cast %slice3A_53 : vector<1x1x1024xf32> to vector<1x1024xf32>
    %slice3A_54 = vector.extract_strided_slice %add3A_52 {offsets = [0, 1, 0], sizes = [1, 1, 1024], strides = [1, 1, 1]} : vector<1x2x1024xf32> to vector<1x1x1024xf32>
    %squeeze3A_55 = vector.shape_cast %slice3A_54 : vector<1x1x1024xf32> to vector<1x1024xf32>
    %add3A_56 = arith.addf %squeeze3A, %squeeze3A_55 : vector<1x1024xf32>
    %eq3A = arith.constant 0.000000e+00 : f32
    %eq3A_57 = vector.broadcast %eq3A : f32 to vector<1x1024xf32>
    %eq3A_58 = arith.cmpf oeq, %add3A_56, %eq3A_57 : vector<1x1024xf32>
    %rsqrt3A = math.rsqrt %add3A_56 : vector<1x1024xf32>
    %mul3A_59 = arith.mulf %add3A_56, %rsqrt3A : vector<1x1024xf32>
    %jit3A = arith.constant 0.000000e+00 : f32
    %broadcast_in_dim3A = vector.broadcast %jit3A : f32 to vector<1x1024xf32>
    %select_n3A = arith.select %eq3A_58, %broadcast_in_dim3A, %mul3A_59 : vector<1x1024xi1>, vector<1x1024xf32>
    %swap3A = arith.constant 0 : index
    %swap3A_60 = arith.constant 0 : index
    %swap3A_61 = vector.load %arg2[%swap3A, %swap3A_60] : memref<1x1024xf32, #tpu.memory_space<vmem>>, vector<1x1024xf32>
    tpu.vector_store %arg2[%swap3A, %swap3A_60], %select_n3A {strides = array<i32>} : memref<1x1024xf32, #tpu.memory_space<vmem>>, vector<1x1024xf32>,
    return
  }
  func.func @transform_0(%arg0: i32) -> (i32, i32, i32) {
    %c2_i32 = arith.constant 2 : i32
    %c0_i32 = arith.constant 0 : i32
    %c0_i32_0 = arith.constant 0 : i32
    return %c2_i32, %arg0, %c0_i32 : i32, i32, i32
  }
  func.func @transform_1(%arg0: i32) -> (i32, i32) {
    %c0_i32 = arith.constant 0 : i32
    %c0_i32_0 = arith.constant 0 : i32
    return %c0_i32, %arg0 : i32, i32
  }
}

module attributes {stable_mosaic.version = 14 : i64} {
  func.func @_norms_body(%arg0: i32, %arg1: memref<1x1024x1024xf32, #tpu.memory_space<vmem>>, %arg2: memref<1x1024xf32, #tpu.memory_space<vmem>>) attributes {dimension_semantics = [#tpu.dimension_semantics<arbitrary>], iteration_bounds = array<i64: 8>, scalar_prefetch = 0 : i64, scratch_operands = 0 : i64, tpu.core_type = #tpu.core_type<tc>, window_params = [{transform_indices = @transform_0, window_bounds = array<i64: 1, 1024, 1024>}, {transform_indices = @transform_1, window_bounds = array<i64: 1, 1024>}]} {
    %get3A = arith.constant 0 : index
    %get3A_0 = arith.constant 0 : index
    %get3A_1 = arith.constant 0 : index
    %get3A_2 = vector.load %arg1[%get3A, %get3A_0, %get3A_1] : memref<1x1024x1024xf32, #tpu.memory_space<vmem>>, vector<1x1024x1024xf32>
    %mul3A = arith.mulf %get3A_2, %get3A_2 : vector<1x1024x1024xf32>
    %slice3A = vector.extract_strided_slice %mul3A {offsets = [0, 0, 0], sizes = [1, 1024, 128], strides = [1, 1, 1]} : vector<1x1024x1024xf32> to vector<1x1024x128xf32>
    %slice3A_3 = vector.extract_strided_slice %mul3A {offsets = [0, 0, 128], sizes = [1, 1024, 128], strides = [1, 1, 1]} : vector<1x1024x1024xf32> to vector<1x1024x128xf32>
    %slice3A_4 = vector.extract_strided_slice %mul3A {offsets = [0, 0, 256], sizes = [1, 1024, 128], strides = [1, 1, 1]} : vector<1x1024x1024xf32> to vector<1x1024x128xf32>
    %slice3A_5 = vector.extract_strided_slice %mul3A {offsets = [0, 0, 384], sizes = [1, 1024, 128], strides = [1, 1, 1]} : vector<1x1024x1024xf32> to vector<1x1024x128xf32>
    %slice3A_6 = vector.extract_strided_slice %mul3A {offsets = [0, 0, 512], sizes = [1, 1024, 128], strides = [1, 1, 1]} : vector<1x1024x1024xf32> to vector<1x1024x128xf32>
    %slice3A_7 = vector.extract_strided_slice %mul3A {offsets = [0, 0, 640], sizes = [1, 1024, 128], strides = [1, 1, 1]} : vector<1x1024x1024xf32> to vector<1x1024x128xf32>
    %slice3A_8 = vector.extract_strided_slice %mul3A {offsets = [0, 0, 768], sizes = [1, 1024, 128], strides = [1, 1, 1]} : vector<1x1024x1024xf32> to vector<1x1024x128xf32>
    %slice3A_9 = vector.extract_strided_slice %mul3A {offsets = [0, 0, 896], sizes = [1, 1024, 128], strides = [1, 1, 1]} : vector<1x1024x1024xf32> to vector<1x1024x128xf32>
    %add3A = arith.addf %slice3A, %slice3A_3 : vector<1x1024x128xf32>
    %add3A_10 = arith.addf %slice3A_4, %slice3A_5 : vector<1x1024x128xf32>
    %add3A_11 = arith.addf %slice3A_6, %slice3A_7 : vector<1x1024x128xf32>
    %add3A_12 = arith.addf %slice3A_8, %slice3A_9 : vector<1x1024x128xf32>
    %add3A_13 = arith.addf %add3A, %add3A_10 : vector<1x1024x128xf32>
    %add3A_14 = arith.addf %add3A_11, %add3A_12 : vector<1x1024x128xf32>
    %add3A_15 = arith.addf %add3A_13, %add3A_14 : vector<1x1024x128xf32>
    %transpose3A = tpu.transpose %add3A_15, [0, 2, 1] : vector<1x1024x128xf32> -> vector<1x128x1024xf32>
    %slice3A_16 = vector.extract_strided_slice %transpose3A {offsets = [0, 0, 0], sizes = [1, 8, 1024], strides = [1, 1, 1]} : vector<1x128x1024xf32> to vector<1x8x1024xf32>
    %slice3A_17 = vector.extract_strided_slice %transpose3A {offsets = [0, 8, 0], sizes = [1, 8, 1024], strides = [1, 1, 1]} : vector<1x128x1024xf32> to vector<1x8x1024xf32>
    %add3A_18 = arith.addf %slice3A_16, %slice3A_17 : vector<1x8x1024xf32>
    %slice3A_19 = vector.extract_strided_slice %transpose3A {offsets = [0, 16, 0], sizes = [1, 8, 1024], strides = [1, 1, 1]} : vector<1x128x1024xf32> to vector<1x8x1024xf32>
    %add3A_20 = arith.addf %add3A_18, %slice3A_19 : vector<1x8x1024xf32>
    %slice3A_21 = vector.extract_strided_slice %transpose3A {offsets = [0, 24, 0], sizes = [1, 8, 1024], strides = [1, 1, 1]} : vector<1x128x1024xf32> to vector<1x8x1024xf32>
    %add3A_22 = arith.addf %add3A_20, %slice3A_21 : vector<1x8x1024xf32>
    %slice3A_23 = vector.extract_strided_slice %transpose3A {offsets = [0, 32, 0], sizes = [1, 8, 1024], strides = [1, 1, 1]} : vector<1x128x1024xf32> to vector<1x8x1024xf32>
    %add3A_24 = arith.addf %add3A_22, %slice3A_23 : vector<1x8x1024xf32>
    %slice3A_25 = vector.extract_strided_slice %transpose3A {offsets = [0, 40, 0], sizes = [1, 8, 1024], strides = [1, 1, 1]} : vector<1x128x1024xf32> to vector<1x8x1024xf32>
    %add3A_26 = arith.addf %add3A_24, %slice3A_25 : vector<1x8x1024xf32>
    %slice3A_27 = vector.extract_strided_slice %transpose3A {offsets = [0, 48, 0], sizes = [1, 8, 1024], strides = [1, 1, 1]} : vector<1x128x1024xf32> to vector<1x8x1024xf32>
    %add3A_28 = arith.addf %add3A_26, %slice3A_27 : vector<1x8x1024xf32>
    %slice3A_29 = vector.extract_strided_slice %transpose3A {offsets = [0, 56, 0], sizes = [1, 8, 1024], strides = [1, 1, 1]} : vector<1x128x1024xf32> to vector<1x8x1024xf32>
    %add3A_30 = arith.addf %add3A_28, %slice3A_29 : vector<1x8x1024xf32>
    %slice3A_31 = vector.extract_strided_slice %transpose3A {offsets = [0, 64, 0], sizes = [1, 8, 1024], strides = [1, 1, 1]} : vector<1x128x1024xf32> to vector<1x8x1024xf32>
    %add3A_32 = arith.addf %add3A_30, %slice3A_31 : vector<1x8x1024xf32>
    %slice3A_33 = vector.extract_strided_slice %transpose3A {offsets = [0, 72, 0], sizes = [1, 8, 1024], strides = [1, 1, 1]} : vector<1x128x1024xf32> to vector<1x8x1024xf32>
    %add3A_34 = arith.addf %add3A_32, %slice3A_33 : vector<1x8x1024xf32>
    %slice3A_35 = vector.extract_strided_slice %transpose3A {offsets = [0, 80, 0], sizes = [1, 8, 1024], strides = [1, 1, 1]} : vector<1x128x1024xf32> to vector<1x8x1024xf32>
    %add3A_36 = arith.addf %add3A_34, %slice3A_35 : vector<1x8x1024xf32>
    %slice3A_37 = vector.extract_strided_slice %transpose3A {offsets = [0, 88, 0], sizes = [1, 8, 1024], strides = [1, 1, 1]} : vector<1x128x1024xf32> to vector<1x8x1024xf32>
    %add3A_38 = arith.addf %add3A_36, %slice3A_37 : vector<1x8x1024xf32>
    %slice3A_39 = vector.extract_strided_slice %transpose3A {offsets = [0, 96, 0], sizes = [1, 8, 1024], strides = [1, 1, 1]} : vector<1x128x1024xf32> to vector<1x8x1024xf32>
    %add3A_40 = arith.addf %add3A_38, %slice3A_39 : vector<1x8x1024xf32>
    %slice3A_41 = vector.extract_strided_slice %transpose3A {offsets = [0, 104, 0], sizes = [1, 8, 1024], strides = [1, 1, 1]} : vector<1x128x1024xf32> to vector<1x8x1024xf32>
    %add3A_42 = arith.addf %add3A_40, %slice3A_41 : vector<1x8x1024xf32>
    %slice3A_43 = vector.extract_strided_slice %transpose3A {offsets = [0, 112, 0], sizes = [1, 8, 1024], strides = [1, 1, 1]} : vector<1x128x1024xf32> to vector<1x8x1024xf32>
    %add3A_44 = arith.addf %add3A_42, %slice3A_43 : vector<1x8x1024xf32>
    %slice3A_45 = vector.extract_strided_slice %transpose3A {offsets = [0, 120, 0], sizes = [1, 8, 1024], strides = [1, 1, 1]} : vector<1x128x1024xf32> to vector<1x8x1024xf32>
    %add3A_46 = arith.addf %add3A_44, %slice3A_45 : vector<1x8x1024xf32>
    %slice3A_47 = vector.extract_strided_slice %add3A_46 {offsets = [0, 0, 0], sizes = [1, 4, 1024], strides = [1, 1, 1]} : vector<1x8x1024xf32> to vector<1x4x1024xf32>
    %slice3A_48 = vector.extract_strided_slice %add3A_46 {offsets = [0, 4, 0], sizes = [1, 4, 1024], strides = [1, 1, 1]} : vector<1x8x1024xf32> to vector<1x4x1024xf32>
    %add3A_49 = arith.addf %slice3A_47, %slice3A_48 : vector<1x4x1024xf32>
    %slice3A_50 = vector.extract_strided_slice %add3A_49 {offsets = [0, 0, 0], sizes = [1, 2, 1024], strides = [1, 1, 1]} : vector<1x4x1024xf32> to vector<1x2x1024xf32>
    %slice3A_51 = vector.extract_strided_slice %add3A_49 {offsets = [0, 2, 0], sizes = [1, 2, 1024], strides = [1, 1, 1]} : vector<1x4x1024xf32> to vector<1x2x1024xf32>
    %add3A_52 = arith.addf %slice3A_50, %slice3A_51 : vector<1x2x1024xf32>
    %slice3A_53 = vector.extract_strided_slice %add3A_52 {offsets = [0, 0, 0], sizes = [1, 1, 1024], strides = [1, 1, 1]} : vector<1x2x1024xf32> to vector<1x1x1024xf32>
    %squeeze3A = vector.shape_cast %slice3A_53 : vector<1x1x1024xf32> to vector<1x1024xf32>
    %slice3A_54 = vector.extract_strided_slice %add3A_52 {offsets = [0, 1, 0], sizes = [1, 1, 1024], strides = [1, 1, 1]} : vector<1x2x1024xf32> to vector<1x1x1024xf32>
    %squeeze3A_55 = vector.shape_cast %slice3A_54 : vector<1x1x1024xf32> to vector<1x1024xf32>
    %add3A_56 = arith.addf %squeeze3A, %squeeze3A_55 : vector<1x1024xf32>
    %eq3A = arith.constant 0.000000e+00 : f32
    %eq3A_57 = vector.broadcast %eq3A : f32 to vector<1x1024xf32>
    %eq3A_58 = arith.cmpf oeq, %add3A_56, %eq3A_57 : vector<1x1024xf32>
    %rsqrt3A = math.rsqrt %add3A_56 : vector<1x1024xf32>
    %mul3A_59 = arith.mulf %add3A_56, %rsqrt3A : vector<1x1024xf32>
    %jit3A = arith.constant 0.000000e+00 : f32
    %broadcast_in_dim3A = vector.broadcast %jit3A : f32 to vector<1x1024xf32>
    %select_n3A = arith.select %eq3A_58, %broadcast_in_dim3A, %mul3A_59 : vector<1x1024xi1>, vector<1x1024xf32>
    %swap3A = arith.constant 0 : index
    %swap3A_60 = arith.constant 0 : index
    %swap3A_61 = vector.load %arg2[%swap3A, %swap3A_60] : memref<1x1024xf32, #tpu.memory_space<vmem>>, vector<1x1024xf32>
    tpu.vector_store %arg2[%swap3A, %swap3A_60], %select_n3A {strides = array<i32>} : memref<1x1024xf32, #tpu.memory_space<vmem>>, vector<1x1024xf32>,
    return
  }
  func.func @transform_0(%arg0: i32) -> (i32, i32, i32) {
    %c1_i32 = arith.constant 1 : i32
    %c0_i32 = arith.constant 0 : i32
    %c0_i32_0 = arith.constant 0 : i32
    return %c1_i32, %arg0, %c0_i32 : i32, i32, i32
  }
  func.func @transform_1(%arg0: i32) -> (i32, i32) {
    %c0_i32 = arith.constant 0 : i32
    %c0_i32_0 = arith.constant 0 : i32
    return %c0_i32, %arg0 : i32, i32
  }
}

module attributes {stable_mosaic.version = 14 : i64} {
  func.func @_norms_body(%arg0: i32, %arg1: memref<1x1024x1024xf32, #tpu.memory_space<vmem>>, %arg2: memref<1x1024xf32, #tpu.memory_space<vmem>>) attributes {dimension_semantics = [#tpu.dimension_semantics<arbitrary>], iteration_bounds = array<i64: 8>, scalar_prefetch = 0 : i64, scratch_operands = 0 : i64, tpu.core_type = #tpu.core_type<tc>, window_params = [{transform_indices = @transform_0, window_bounds = array<i64: 1, 1024, 1024>}, {transform_indices = @transform_1, window_bounds = array<i64: 1, 1024>}]} {
    %get3A = arith.constant 0 : index
    %get3A_0 = arith.constant 0 : index
    %get3A_1 = arith.constant 0 : index
    %get3A_2 = vector.load %arg1[%get3A, %get3A_0, %get3A_1] : memref<1x1024x1024xf32, #tpu.memory_space<vmem>>, vector<1x1024x1024xf32>
    %mul3A = arith.mulf %get3A_2, %get3A_2 : vector<1x1024x1024xf32>
    %slice3A = vector.extract_strided_slice %mul3A {offsets = [0, 0, 0], sizes = [1, 1024, 128], strides = [1, 1, 1]} : vector<1x1024x1024xf32> to vector<1x1024x128xf32>
    %slice3A_3 = vector.extract_strided_slice %mul3A {offsets = [0, 0, 128], sizes = [1, 1024, 128], strides = [1, 1, 1]} : vector<1x1024x1024xf32> to vector<1x1024x128xf32>
    %slice3A_4 = vector.extract_strided_slice %mul3A {offsets = [0, 0, 256], sizes = [1, 1024, 128], strides = [1, 1, 1]} : vector<1x1024x1024xf32> to vector<1x1024x128xf32>
    %slice3A_5 = vector.extract_strided_slice %mul3A {offsets = [0, 0, 384], sizes = [1, 1024, 128], strides = [1, 1, 1]} : vector<1x1024x1024xf32> to vector<1x1024x128xf32>
    %slice3A_6 = vector.extract_strided_slice %mul3A {offsets = [0, 0, 512], sizes = [1, 1024, 128], strides = [1, 1, 1]} : vector<1x1024x1024xf32> to vector<1x1024x128xf32>
    %slice3A_7 = vector.extract_strided_slice %mul3A {offsets = [0, 0, 640], sizes = [1, 1024, 128], strides = [1, 1, 1]} : vector<1x1024x1024xf32> to vector<1x1024x128xf32>
    %slice3A_8 = vector.extract_strided_slice %mul3A {offsets = [0, 0, 768], sizes = [1, 1024, 128], strides = [1, 1, 1]} : vector<1x1024x1024xf32> to vector<1x1024x128xf32>
    %slice3A_9 = vector.extract_strided_slice %mul3A {offsets = [0, 0, 896], sizes = [1, 1024, 128], strides = [1, 1, 1]} : vector<1x1024x1024xf32> to vector<1x1024x128xf32>
    %add3A = arith.addf %slice3A, %slice3A_3 : vector<1x1024x128xf32>
    %add3A_10 = arith.addf %slice3A_4, %slice3A_5 : vector<1x1024x128xf32>
    %add3A_11 = arith.addf %slice3A_6, %slice3A_7 : vector<1x1024x128xf32>
    %add3A_12 = arith.addf %slice3A_8, %slice3A_9 : vector<1x1024x128xf32>
    %add3A_13 = arith.addf %add3A, %add3A_10 : vector<1x1024x128xf32>
    %add3A_14 = arith.addf %add3A_11, %add3A_12 : vector<1x1024x128xf32>
    %add3A_15 = arith.addf %add3A_13, %add3A_14 : vector<1x1024x128xf32>
    %transpose3A = tpu.transpose %add3A_15, [0, 2, 1] : vector<1x1024x128xf32> -> vector<1x128x1024xf32>
    %slice3A_16 = vector.extract_strided_slice %transpose3A {offsets = [0, 0, 0], sizes = [1, 8, 1024], strides = [1, 1, 1]} : vector<1x128x1024xf32> to vector<1x8x1024xf32>
    %slice3A_17 = vector.extract_strided_slice %transpose3A {offsets = [0, 8, 0], sizes = [1, 8, 1024], strides = [1, 1, 1]} : vector<1x128x1024xf32> to vector<1x8x1024xf32>
    %add3A_18 = arith.addf %slice3A_16, %slice3A_17 : vector<1x8x1024xf32>
    %slice3A_19 = vector.extract_strided_slice %transpose3A {offsets = [0, 16, 0], sizes = [1, 8, 1024], strides = [1, 1, 1]} : vector<1x128x1024xf32> to vector<1x8x1024xf32>
    %add3A_20 = arith.addf %add3A_18, %slice3A_19 : vector<1x8x1024xf32>
    %slice3A_21 = vector.extract_strided_slice %transpose3A {offsets = [0, 24, 0], sizes = [1, 8, 1024], strides = [1, 1, 1]} : vector<1x128x1024xf32> to vector<1x8x1024xf32>
    %add3A_22 = arith.addf %add3A_20, %slice3A_21 : vector<1x8x1024xf32>
    %slice3A_23 = vector.extract_strided_slice %transpose3A {offsets = [0, 32, 0], sizes = [1, 8, 1024], strides = [1, 1, 1]} : vector<1x128x1024xf32> to vector<1x8x1024xf32>
    %add3A_24 = arith.addf %add3A_22, %slice3A_23 : vector<1x8x1024xf32>
    %slice3A_25 = vector.extract_strided_slice %transpose3A {offsets = [0, 40, 0], sizes = [1, 8, 1024], strides = [1, 1, 1]} : vector<1x128x1024xf32> to vector<1x8x1024xf32>
    %add3A_26 = arith.addf %add3A_24, %slice3A_25 : vector<1x8x1024xf32>
    %slice3A_27 = vector.extract_strided_slice %transpose3A {offsets = [0, 48, 0], sizes = [1, 8, 1024], strides = [1, 1, 1]} : vector<1x128x1024xf32> to vector<1x8x1024xf32>
    %add3A_28 = arith.addf %add3A_26, %slice3A_27 : vector<1x8x1024xf32>
    %slice3A_29 = vector.extract_strided_slice %transpose3A {offsets = [0, 56, 0], sizes = [1, 8, 1024], strides = [1, 1, 1]} : vector<1x128x1024xf32> to vector<1x8x1024xf32>
    %add3A_30 = arith.addf %add3A_28, %slice3A_29 : vector<1x8x1024xf32>
    %slice3A_31 = vector.extract_strided_slice %transpose3A {offsets = [0, 64, 0], sizes = [1, 8, 1024], strides = [1, 1, 1]} : vector<1x128x1024xf32> to vector<1x8x1024xf32>
    %add3A_32 = arith.addf %add3A_30, %slice3A_31 : vector<1x8x1024xf32>
    %slice3A_33 = vector.extract_strided_slice %transpose3A {offsets = [0, 72, 0], sizes = [1, 8, 1024], strides = [1, 1, 1]} : vector<1x128x1024xf32> to vector<1x8x1024xf32>
    %add3A_34 = arith.addf %add3A_32, %slice3A_33 : vector<1x8x1024xf32>
    %slice3A_35 = vector.extract_strided_slice %transpose3A {offsets = [0, 80, 0], sizes = [1, 8, 1024], strides = [1, 1, 1]} : vector<1x128x1024xf32> to vector<1x8x1024xf32>
    %add3A_36 = arith.addf %add3A_34, %slice3A_35 : vector<1x8x1024xf32>
    %slice3A_37 = vector.extract_strided_slice %transpose3A {offsets = [0, 88, 0], sizes = [1, 8, 1024], strides = [1, 1, 1]} : vector<1x128x1024xf32> to vector<1x8x1024xf32>
    %add3A_38 = arith.addf %add3A_36, %slice3A_37 : vector<1x8x1024xf32>
    %slice3A_39 = vector.extract_strided_slice %transpose3A {offsets = [0, 96, 0], sizes = [1, 8, 1024], strides = [1, 1, 1]} : vector<1x128x1024xf32> to vector<1x8x1024xf32>
    %add3A_40 = arith.addf %add3A_38, %slice3A_39 : vector<1x8x1024xf32>
    %slice3A_41 = vector.extract_strided_slice %transpose3A {offsets = [0, 104, 0], sizes = [1, 8, 1024], strides = [1, 1, 1]} : vector<1x128x1024xf32> to vector<1x8x1024xf32>
    %add3A_42 = arith.addf %add3A_40, %slice3A_41 : vector<1x8x1024xf32>
    %slice3A_43 = vector.extract_strided_slice %transpose3A {offsets = [0, 112, 0], sizes = [1, 8, 1024], strides = [1, 1, 1]} : vector<1x128x1024xf32> to vector<1x8x1024xf32>
    %add3A_44 = arith.addf %add3A_42, %slice3A_43 : vector<1x8x1024xf32>
    %slice3A_45 = vector.extract_strided_slice %transpose3A {offsets = [0, 120, 0], sizes = [1, 8, 1024], strides = [1, 1, 1]} : vector<1x128x1024xf32> to vector<1x8x1024xf32>
    %add3A_46 = arith.addf %add3A_44, %slice3A_45 : vector<1x8x1024xf32>
    %slice3A_47 = vector.extract_strided_slice %add3A_46 {offsets = [0, 0, 0], sizes = [1, 4, 1024], strides = [1, 1, 1]} : vector<1x8x1024xf32> to vector<1x4x1024xf32>
    %slice3A_48 = vector.extract_strided_slice %add3A_46 {offsets = [0, 4, 0], sizes = [1, 4, 1024], strides = [1, 1, 1]} : vector<1x8x1024xf32> to vector<1x4x1024xf32>
    %add3A_49 = arith.addf %slice3A_47, %slice3A_48 : vector<1x4x1024xf32>
    %slice3A_50 = vector.extract_strided_slice %add3A_49 {offsets = [0, 0, 0], sizes = [1, 2, 1024], strides = [1, 1, 1]} : vector<1x4x1024xf32> to vector<1x2x1024xf32>
    %slice3A_51 = vector.extract_strided_slice %add3A_49 {offsets = [0, 2, 0], sizes = [1, 2, 1024], strides = [1, 1, 1]} : vector<1x4x1024xf32> to vector<1x2x1024xf32>
    %add3A_52 = arith.addf %slice3A_50, %slice3A_51 : vector<1x2x1024xf32>
    %slice3A_53 = vector.extract_strided_slice %add3A_52 {offsets = [0, 0, 0], sizes = [1, 1, 1024], strides = [1, 1, 1]} : vector<1x2x1024xf32> to vector<1x1x1024xf32>
    %squeeze3A = vector.shape_cast %slice3A_53 : vector<1x1x1024xf32> to vector<1x1024xf32>
    %slice3A_54 = vector.extract_strided_slice %add3A_52 {offsets = [0, 1, 0], sizes = [1, 1, 1024], strides = [1, 1, 1]} : vector<1x2x1024xf32> to vector<1x1x1024xf32>
    %squeeze3A_55 = vector.shape_cast %slice3A_54 : vector<1x1x1024xf32> to vector<1x1024xf32>
    %add3A_56 = arith.addf %squeeze3A, %squeeze3A_55 : vector<1x1024xf32>
    %eq3A = arith.constant 0.000000e+00 : f32
    %eq3A_57 = vector.broadcast %eq3A : f32 to vector<1x1024xf32>
    %eq3A_58 = arith.cmpf oeq, %add3A_56, %eq3A_57 : vector<1x1024xf32>
    %rsqrt3A = math.rsqrt %add3A_56 : vector<1x1024xf32>
    %mul3A_59 = arith.mulf %add3A_56, %rsqrt3A : vector<1x1024xf32>
    %jit3A = arith.constant 0.000000e+00 : f32
    %broadcast_in_dim3A = vector.broadcast %jit3A : f32 to vector<1x1024xf32>
    %select_n3A = arith.select %eq3A_58, %broadcast_in_dim3A, %mul3A_59 : vector<1x1024xi1>, vector<1x1024xf32>
    %swap3A = arith.constant 0 : index
    %swap3A_60 = arith.constant 0 : index
    %swap3A_61 = vector.load %arg2[%swap3A, %swap3A_60] : memref<1x1024xf32, #tpu.memory_space<vmem>>, vector<1x1024xf32>
    tpu.vector_store %arg2[%swap3A, %swap3A_60], %select_n3A {strides = array<i32>} : memref<1x1024xf32, #tpu.memory_space<vmem>>, vector<1x1024xf32>,
    return
  }
  func.func @transform_0(%arg0: i32) -> (i32, i32, i32) {
    %c0_i32 = arith.constant 0 : i32
    %c0_i32_0 = arith.constant 0 : i32
    %c0_i32_1 = arith.constant 0 : i32
    return %c0_i32, %arg0, %c0_i32_0 : i32, i32, i32
  }
  func.func @transform_1(%arg0: i32) -> (i32, i32) {
    %c0_i32 = arith.constant 0 : i32
    %c0_i32_0 = arith.constant 0 : i32
    return %c0_i32, %arg0 : i32, i32
  }
}

module attributes {stable_mosaic.version = 14 : i64} {
  func.func @_mul_body(%arg0: i32, %arg1: memref<4x512x1024xf32, #tpu.memory_space<vmem>>, %arg2: memref<4x512xf32, #tpu.memory_space<vmem>>, %arg3: memref<4x16xf32, #tpu.memory_space<vmem>>, %arg4: memref<4x512x1024xf32, #tpu.memory_space<vmem>>) attributes {dimension_semantics = [#tpu.dimension_semantics<arbitrary>], iteration_bounds = array<i64: 16>, scalar_prefetch = 0 : i64, scratch_operands = 0 : i64, tpu.core_type = #tpu.core_type<tc>, window_params = [{transform_indices = @transform_0, window_bounds = array<i64: 4, 512, 1024>}, {transform_indices = @transform_1, window_bounds = array<i64: 4, 512>}, {pipeline_mode = #tpu.pipeline_mode<synchronous>, transform_indices = @transform_2, window_bounds = array<i64: 4, 16>}, {transform_indices = @transform_3, window_bounds = array<i64: 4, 512, 1024>}]} {
    %get3A = arith.constant 0 : index
    %get3A_0 = arith.constant 0 : index
    %get3A_1 = vector.load %arg3[%get3A, %get3A_0] : memref<4x16xf32, #tpu.memory_space<vmem>>, vector<4x16xf32>
    %slice3A = vector.extract_strided_slice %get3A_1 {offsets = [0, 0], sizes = [4, 1], strides = [1, 1]} : vector<4x16xf32> to vector<4x1xf32>
    %get3A_2 = arith.constant 0 : index
    %get3A_3 = arith.constant 0 : index
    %get3A_4 = vector.load %arg2[%get3A_2, %get3A_3] : memref<4x512xf32, #tpu.memory_space<vmem>>, vector<4x512xf32>
    %ge3A = vector.broadcast %slice3A : vector<4x1xf32> to vector<4x512xf32>
    %ge3A_5 = arith.cmpf oge, %get3A_4, %ge3A : vector<4x512xf32>
    %convert_element_type3A = arith.extui %ge3A_5 : vector<4x512xi1> to vector<4x512xi32>
    %convert_element_type3A_6 = arith.sitofp %convert_element_type3A : vector<4x512xi32> to vector<4x512xf32>
    %get3A_7 = arith.constant 0 : index
    %get3A_8 = arith.constant 0 : index
    %get3A_9 = arith.constant 0 : index
    %get3A_10 = vector.load %arg1[%get3A_7, %get3A_8, %get3A_9] : memref<4x512x1024xf32, #tpu.memory_space<vmem>>, vector<4x512x1024xf32>
    %broadcast_in_dim3A = vector.shape_cast %convert_element_type3A_6 : vector<4x512xf32> to vector<4x512x1xf32>
    %mul3A = vector.broadcast %broadcast_in_dim3A : vector<4x512x1xf32> to vector<4x512x1024xf32>
    %mul3A_11 = arith.mulf %get3A_10, %mul3A : vector<4x512x1024xf32>
    %swap3A = arith.constant 0 : index
    %swap3A_12 = arith.constant 0 : index
    %swap3A_13 = arith.constant 0 : index
    %swap3A_14 = vector.load %arg4[%swap3A, %swap3A_12, %swap3A_13] : memref<4x512x1024xf32, #tpu.memory_space<vmem>>, vector<4x512x1024xf32>
    tpu.vector_store %arg4[%swap3A, %swap3A_12, %swap3A_13], %mul3A_11 {strides = array<i32>} : memref<4x512x1024xf32, #tpu.memory_space<vmem>>, vector<4x512x1024xf32>,
    return
  }
  func.func @transform_0(%arg0: i32) -> (i32, i32, i32) {
    %c0_i32 = arith.constant 0 : i32
    %c0_i32_0 = arith.constant 0 : i32
    %c0_i32_1 = arith.constant 0 : i32
    return %c0_i32, %arg0, %c0_i32_0 : i32, i32, i32
  }
  func.func @transform_1(%arg0: i32) -> (i32, i32) {
    %c0_i32 = arith.constant 0 : i32
    %c0_i32_0 = arith.constant 0 : i32
    return %c0_i32, %arg0 : i32, i32
  }
  func.func @transform_2(%arg0: i32) -> (i32, i32) {
    %c0_i32 = arith.constant 0 : i32
    %c0_i32_0 = arith.constant 0 : i32
    %c0_i32_1 = arith.constant 0 : i32
    return %c0_i32, %c0_i32_0 : i32, i32
  }
  func.func @transform_3(%arg0: i32) -> (i32, i32, i32) {
    %c0_i32 = arith.constant 0 : i32
    %c0_i32_0 = arith.constant 0 : i32
    %c0_i32_1 = arith.constant 0 : i32
    return %c0_i32, %arg0, %c0_i32_0 : i32, i32, i32
  }
}

</mosaic_0001>

<sc_bundles>
// kernel: kernel.11.cloned.1.call-start
scs
__scs_entry_jumppad:
0x0: {  	(pc) =	sbr.rel $0x88, $3  }
0x1: {  	(tag) =	ssettag $0x0;
	lr =	simm.s32 $0x1  }
0x2: {  	[smem:$0x3F9D] =	sst lr;
	_ =	strace $0xD0000000  }
0x3: {  	_ = 	snop  }
0x4: {  	_ = 	snop  }
0x5: {  	_ = 	snop  }
0x6: {  	_ = 	snop  }
0x7: {  	_ = 	snop  }
__scs_overlays_trampoline_lowered:
0x8: {  	[smem:$0x3FAC] =	sst s0  }
0x9: {  	[smem:$0x3FAD] =	sst s1  }
0xa: {  	[smem:$0x3FAE] =	sst s2  }
0xb: {  	[smem:$0x3FAF] =	sst s3  }
0xc: {  	[smem:$0x3FB0] =	sst s4  }
0xd: {  	[smem:$0x3FB1] =	sst s5  }
0xe: {  	[smem:$0x3FB2] =	sst s6  }
0xf: {  	[smem:$0x3FB3] =	sst s7  }
0x10: {  	[smem:$0x3FB4] =	sst s8  }
0x11: {  	[smem:$0x3FB5] =	sst s9;
	s0 =	simm.s32 @!p0 $0x0  }
0x12: {  	s1 =	sld [smem:$0x3F9B];
	s0 =	simm.s32 @p0 $0x1  }
0x13: {  	[smem:$0x3FB6] =	sst s0;
	s0 =	simm.s32 @!p1 $0x0  }
0x14: {  	s2 =	sld [smem:$0x3F9A];
	s0 =	simm.s32 @p1 $0x1  }
0x15: {  	[smem:$0x3FB7] =	sst s0;
	s0 =	simm.s32 @!p2 $0x0  }
0x16: {  	s3 =	sld [smem:$0x3FDB];
	s0 =	simm.s32 @p2 $0x1  }
0x17: {  	s4 =	simm.s32 $0x1BF5;
	[smem:$0x3FB9] =	sst s0  }
0x18: {  	s0 =	sld [smem:$0x3F9C];
	_ =	swait.ge [sflag:s4], $0x0  }
0x19: {  	s7 =	sld [smem:$0x3F9D]  }
0x1a: {  	s8 =	sadd.s32 $0xFFFFE003, lr  }
0x1b: {  	s9 =	sadd.s32 $0xFFFFFEF7, lr;
	s5 =	simm.s32 $0xFFFFFFFF;
	p2 =	slt.u32 s8, $0xFFFFF086  }
0x1c: {  	p1 =	slt.u32 s9, $0xF7A;
	s5 =	simm.s32 @!p2 $0x0  }
0x1d: {  	s5 =	simm.s32 @p1 $0x1;
	p0 =	seq.s32 s7, s2  }
0x1e: {  	s7 =	smul.u32 @!p0 $0xF7A, s2;
	p2 =	seq.s32 @!p0 s5, $0x0  }
0x1f: {  	s9 =	smul.u32 $0xF7A, s1;
	s8 =	simm.s32 @!p0 $0x1BF5;
	p2 =	por !p2, p0  }
0x20: {  	[sflag:s8] =	ssyncset.s32 @!p0 $0xFFFFF086;
	s6 =	sadd.s32 @!p0 s3, s7;
	s7 =	simm.s32 @!p0 $0x108  }
0x21: {  	s3 =	sadd.s32 s3, s9;
	s6 =	sadd.s32 @!p0 $0x88, s6;
	s7 =	simm.s32 @p2 $0x1082  }
0x22: {  	[simem:s7], [sflag:s8] =	dma.local @!p0 [hbm:s6], $0xF7A  }
0x23: {  	s9 =	sor.u32 $0xD0000000, s2;
	s6 =	simm.s32 $0x108;
	_ =	swait.ge @!p0 [sflag:s8], $0x0  }
0x24: {  	s3 =	sadd.s32 $0x88, s3;
	s6 =	simm.s32 @!p1 $0x1082;
	[sflag:s4] =	ssyncset.s32 $0xFFFFF086  }
0x25: {  	[simem:s6], [sflag:s4] =	dma.local [hbm:s3], $0xF7A  }
0x26: {  	[smem:$0x3F9D] =	sst s1;
	(tag) =	ssettag s2;
	_ =	strace s9  }
0x27: {  	s1 =	sld [smem:$0x3FAD]  }
0x28: {  	s2 =	sld [smem:$0x3FAE]  }
0x29: {  	s4 =	sld [smem:$0x3FB0]  }
0x2a: {  	p0 =	seq.s32 s5, $0x0;
	s5 =	sld [smem:$0x3FB1]  }
0x2b: {  	s6 =	sld [smem:$0x3FB2]  }
0x2c: {  	s7 =	sld [smem:$0x3FB3]  }
0x2d: {  	s3 =	simm.s32 $0x108;
	s8 =	sld [smem:$0x3FB4]  }
0x2e: {  	s3 =	simm.s32 @!p0 $0x1082;
	s9 =	sld [smem:$0x3FB5]  }
0x2f: {  	lr =	sadd.s32 s0, s3;
	s0 =	sld [smem:$0x3FAC]  }
0x30: {  	s3 =	sld [smem:$0x3FAF]  }
0x31: {  	[smem:$0x3FB8] =	sst s10  }
0x32: {  	s10 =	sld [smem:$0x3FB6];
	_ =	sdelay $0x3  }
0x33: {  	p0 =	seq.s32 s10, $0x1;
	s10 =	sld [smem:$0x3FB8];
	_ =	sdelay $0x3  }
0x34: {  	[smem:$0x3FB8] =	sst s10  }
0x35: {  	s10 =	sld [smem:$0x3FB7];
	_ =	sdelay $0x3  }
0x36: {  	p1 =	seq.s32 s10, $0x1;
	s10 =	sld [smem:$0x3FB8];
	_ =	sdelay $0x3  }
0x37: {  	[smem:$0x3FB8] =	sst s10  }
0x38: {  	s10 =	sld [smem:$0x3FB9]  }
0x39: {  	_ = 	snop;
	(pc) =	sbr.ind lr, $3  }
0x3a: {  	_ = 	snop  }
0x3b: {  	_ = 	snop  }
0x3c: {  	p2 =	seq.s32 s10, $0x1;
	s10 =	sld [smem:$0x3FB8]  }
0x3d: {  	_ =	shalt  }
0x3e: {  	_ =	shalt  }
0x3f: {  	_ =	shalt  }
0x40: {  	_ =	shalt  }
0x41: {  	_ =	shalt  }
0x42: {  	_ =	shalt  }
0x43: {  	_ =	shalt  }
0x44: {  	_ =	shalt  }
0x45: {  	_ =	shalt  }
0x46: {  	_ =	shalt  }
0x47: {  	_ =	shalt  }
0x48: {  	_ =	shalt  }
0x49: {  	_ =	shalt  }
0x4a: {  	_ =	shalt  }
0x4b: {  	_ =	shalt  }
0x4c: {  	_ =	shalt  }
0x4d: {  	_ =	shalt  }
0x4e: {  	_ =	shalt  }
0x4f: {  	_ =	shalt  }
0x50: {  	_ =	shalt  }
0x51: {  	_ =	shalt  }
0x52: {  	_ =	shalt  }
0x53: {  	_ =	shalt  }
0x54: {  	_ =	shalt  }
0x55: {  	_ =	shalt  }
0x56: {  	_ =	shalt  }
0x57: {  	_ =	shalt  }
0x58: {  	_ =	shalt  }
0x59: {  	_ =	shalt  }
0x5a: {  	_ =	shalt  }
0x5b: {  	_ =	shalt  }
0x5c: {  	_ =	shalt  }
0x5d: {  	_ =	shalt  }
0x5e: {  	_ =	shalt  }
0x5f: {  	_ =	shalt  }
0x60: {  	_ =	shalt  }
0x61: {  	_ =	shalt  }
0x62: {  	_ =	shalt  }
0x63: {  	_ =	shalt  }
0x64: {  	_ =	shalt  }
0x65: {  	_ =	shalt  }
0x66: {  	_ =	shalt  }
0x67: {  	_ =	shalt  }
0x68: {  	_ =	shalt  }
0x69: {  	_ =	shalt  }
0x6a: {  	_ =	shalt  }
0x6b: {  	_ =	shalt  }
0x6c: {  	_ =	shalt  }
0x6d: {  	_ =	shalt  }
0x6e: {  	_ =	shalt  }
0x6f: {  	_ =	shalt  }
0x70: {  	_ =	shalt  }
0x71: {  	_ =	shalt  }
0x72: {  	_ =	shalt  }
0x73: {  	_ =	shalt  }
0x74: {  	_ =	shalt  }
0x75: {  	_ =	shalt  }
0x76: {  	_ =	shalt  }
0x77: {  	_ =	shalt  }
0x78: {  	_ =	shalt  }
0x79: {  	_ =	shalt  }
0x7a: {  	_ =	shalt  }
0x7b: {  	_ =	shalt  }
0x7c: {  	_ =	shalt  }
0x7d: {  	_ =	shalt  }
0x7e: {  	_ =	shalt  }
0x7f: {  	_ =	shalt  }
0x80: {  	_ =	shalt  }
0x81: {  	_ =	shalt  }
0x82: {  	_ =	shalt  }
0x83: {  	_ =	shalt  }
0x84: {  	_ =	shalt  }
0x85: {  	_ =	shalt  }
0x86: {  	_ =	shalt  }
0x87: {  	_ =	shalt  }
.Lfunc_end0:
.L_simem_size_0:
called_computation_lowered:
.L_overlay_start_0:
0x88: {  	s2 =	sld [smem:$0x3FD9]  }
0x89: {  	s3 =	sld [smem:$0x3FFE];
	_ =	sdelay $0x1  }
0x8a: {  	s1 =	srdreg.scid  }
0x8b: {  	s0 =	sand.u32 $0x1, s1  }
0x8c: {  	s17 =	sshll.u32 s0, $0xA;
	s2 =	sadd.s32 s3, s2  }
0x8d: {  	s2 =	sadd.s32 s2, s17  }
0x8e: {  	[smem:$0x3FC4] =	sst s2  }
0x8f: {  	_ = 	snop  }
0x90: {  	(tm) =	ssettm $0x1  }
0x91: {  	s18 =	sld [smem:$0x3FFB];
	_ =	sdelay $0x3  }
0x92: {  	_ =	strace s18  }
0x93: {  	s2 =	sld [smem:$0x3FFC];
	_ =	sdelay $0x3  }
0x94: {  	_ =	strace s2  }
0x95: {  	s2 =	sld [smem:$0x3FFD];
	_ =	sdelay $0x3  }
0x96: {  	_ =	strace s2  }
0x97: {  	_ =	strace $0x8FFFFFFF  }
0x98: {  	s19 =	sld [smem:$0x3FDB];
	_ =	sdelay $0x1  }
0x99: {  	s20 =	simm.s32 $_scs_section_size  }
0x9a: {  	s4 =	simm.s32 $_size__tile_overlayer_lowered;
	s5 =	simm.s32 $_tile_overlayer_lowered  }
0x9b: {  	s6 =	simm.s32 $0x1BFF;
	s21 =	sshll.u32 s5, $0x1;
	s3 =	sadd.s32 s20, s19  }
0x9c: {  	s22 =	simm.s32 $0x0;
	s4 =	sshll.u32 s4, $0x1;
	s5 =	sadd.s32 s21, s3  }
0x9d: {  	[timem:s22], [sflag:s6] =	dma.local [hbm:s5], s4  }
0x9e: {  	_ =	swait.ge [sflag:s6], s4  }
0x9f: {  	s4 =	ssub.s32 $0x0, s4;
	[sflag:s6] =	ssyncset.done $0x0  }
0xa0: {  	[sflag:s6] =	ssyncadd.s32 s4;
	_ =	sdelay $0x1  }
0xa1: {  	s23 =	simm.s32 $0x1B8B  }
0xa2: {  	_ =	swait.ge [sflag:s23], $0x1  }
0xa3: {  	[sflag:s23] =	ssyncset.done $0x0  }
0xa4: {  	[sflag:s23] =	ssyncadd.s32 $0xFFFFFFFF  }
0xa5: {  	s4 =	sld [smem:$0x0]  }
0xa6: {  	s5 =	sand.u32 $0xFFFFFFFE, s1  }
0xa7: {  	p0 =	sne.s32 s1, s5  }
0xa8: {  	s5 =	sshll.u32 @p0 s5, $0xE  }
0xa9: {  	s5 =	sadd.s32 @p0 $0x11B8D, s5;
	s6 =	sshll.u32 @p0 s4, $0x11  }
0xaa: {  	s5 =	sor.u32 @p0 s6, s5  }
0xab: {  	[sflag:s5] =	ssyncadd.remote.s32 @p0 $0x1;
	_ =	sdelay $0x1  }
0xac: {  	s5 =	simm.s32 @p0 $0x1B8D  }
0xad: {  	_ =	swait.eq @p0 [sflag:s5], $0x1  }
0xae: {  	[sflag:s5] =	ssyncadd.s32 @p0 $0xFFFFFFFF  }
0xaf: {  	s6 =	sshll.u32 @!p0 s1, $0xE  }
0xb0: {  	s6 =	sor.u32 @!p0 $0x4000, s6;
	s5 =	simm.s32 @!p0 $0x1B8D  }
0xb1: {  	s4 =	sshll.u32 @!p0 s4, $0x11;
	s6 =	sadd.s32 @!p0 $0x11B8D, s6;
	_ =	swait.eq @!p0 [sflag:s5], $0x1  }
0xb2: {  	s4 =	sor.u32 @!p0 s4, s6;
	[sflag:s5] =	ssyncadd.s32 @!p0 $0xFFFFFFFF  }
0xb3: {  	s25 =	simm.s32 $0x1B8E;
	s24 =	sld [smem:$0x3FFE];
	[sflag:s4] =	ssyncadd.remote.s32 @!p0 $0x1  }
0xb4: {  	s26 =	simm.s32 $execute0_lowered;
	[smem:$0x3FD2] =	sst s25  }
0xb5: {  	s5 =	sshll.u32 s26, $0x1;
	_ =	strace $0x8000004F;
	[dreg:$0x1] =	wrdreg $0xFFFFFFFF  }
0xb6: {  	s28 =	simm.s32 $_size_execute0_lowered;
	s3 =	sadd.s32 s3, s5;
	[dreg:$0x0] =	wrdreg $0x0  }
0xb7: {  	s5 =	sshll.u32 s28, $0x1;
	[dreg:$0x2] =	wrdreg s3  }
0xb8: {  	[dreg:$0x3] =	wrdreg s5  }
0xb9: {  	[dreg:$0x4] =	wrdreg $0xC0  }
0xba: {  	_ =	task [dreg:s22], $0x5FFFF  }
0xbb: {  	[dreg:$0x1] =	wrdreg $0xFFFFFFFF  }
0xbc: {  	[dreg:$0x0] =	wrdreg $0x60  }
0xbd: {  	[dreg:$0x2] =	wrdreg s24  }
0xbe: {  	[dreg:$0x3] =	wrdreg $0x9  }
0xbf: {  	_ =	task.clear_ibuf [dreg:s22], $0x4FFFF;
	_ =	strace $0x9000004F  }
0xc0: {  	s29 =	simm.s32 $0x9;
	_ =	strace $0x80000051  }
0xc1: {  	_ =	swait.ge [sflag:s29], $0x1  }
0xc2: {  	[sflag:s29] =	ssyncadd.s32 $0xFFFFFFFF  }
0xc3: {  	_ =	strace $0x90000051  }
0xc4: {  	_ =	sfence  }
0xc5: {  	s30 =	sld [smem:$0x0];
	_ =	sdelay $0x2  }
0xc6: {  	s31 =	sshll.u32 s1, $0xD;
	s1 =	sshrl.u32 s1, $0x2  }
0xc7: {  	s4 =	sand.u32 $0x4000, s31;
	s1 =	sadd.s32 s1, s30  }
0xc8: {  	s0 =	sor.u32 s4, s0;
	s1 =	sshll.u32 s1, $0x11  }
0xc9: {  	s0 =	sor.u32 s1, s0  }
0xca: {  	s0 =	sadd.s32 $0x8F2B, s0  }
0xcb: {  	[sflag:s0] =	ssyncadd.remote.s32 $0x1  }
0xcc: {  	_ =	sfence.sel $0xFFFF  }
0xcd: {  	[dreg:$0x0] =	wrdreg $0xFFFFFFFF;
	(pc) =	sbr.abs _section_cstart, $3  }
0xce: {  	[dreg:$0x1] =	wrdreg $0xFFFFFFFF  }
0xcf: {  	_ =	task.clear_ibuf [dreg:s22], $0x2FFFF;
	_ =	strace $0x9FFFFFFF  }
0xd0: {  	(tm) =	ssettm $0x7FFFFFFF  }
0xd1: {  	_ =	shalt  }
tec
execute0_lowered:
.L_overlay_start_1:
0x0: {  	(tag) =	ssettag $0x1  }
0x1: {  	s0 =	srdreg.scid  }
0x2: {  	s2 =	sand.u32 $0x1, s0;
	s0 =	stileid.u32  }
0x3: {  	s3 =	sor.u32 s0, s2  }
0x4: {  	p0 =	sne.s32 s3, $0x0  }
.Ltmp0:
0x5: {  	_ = 	snop;
	(pc) =	sbr.rel @p0 .LBB2_7-.Ltmp0, $3  }
0x6: {  	_ =	sdelay $0x1  }
0x7: {  	s4 =	rddreg [dreg:$0x0]  }
0x8: {  	s1 =	rddreg [dreg:$0x1];
	_ =	strace $0x80000050  }
0x9: {  	s5 =	ssub.s32 $0x2, s2;
	s2 =	sadd.s32 $0x3800, s4;
	s3 =	sadd.s32 $0x3C00, s4  }
0xa: {  	s4 =	sadd.s32 $0x2800, s4;
	s7 =	simm.s32 $0x1;
	s8 =	simm.s32 $0x2000  }
0xb: {  	s9 =	simm.s32 $0x40000000;
	s10 =	simm.s32 $0x0;
	s6 =	sshrl.u32 s5, $0x1  }
0xc: {  	v0 =	vimm.s32 $0x0;
	s11 =	simm.s32 $0x2080;
	s5 =	ssub.s32 s5, s6;
	s6 =	simm.s32 $0x0  }
.LBB2_2:
0xd: {  	[tilespmem:s10], [sflag:$0x1] =	stream.linear.gather [hbm4b:s2+s10], $0x2000, $0x38;
	[tilespmem:$0x2100] =	vst v63  }
0xe: {  	_ =	swait.ge [sflag:s7], $0x2000  }
0xf: {  	[sflag:s7] =	ssyncset.done $0x0  }
0x10: {  	[sflag:s7] =	ssyncadd.s32 $0xFFFFE000  }
0x11: {  	[tilespmem:s8], [sflag:$0x1] =	stream.linear.gather [hbm4b:s3+s10], $0x80, $0x38;
	[tilespmem:$0x2100] =	vst v63  }
0x12: {  	_ =	swait.ge [sflag:s7], $0x80  }
0x13: {  	[sflag:s7] =	ssyncset.done $0x0  }
0x14: {  	[sflag:s7] =	ssyncadd.s32 $0xFFFFFF80  }
0x15: {  	v1 =	vld [tilespmem:$0x2000];
	_ =	sdelay $0x4  }
0x16: {  	(v2sf) =	vpush v1, $0x0;
	_ =	sdelay $0xe  }
0x17: {  	s14 =	simm.s32 $0x0;
	s13 =	simm.s32 $0x0;
	s12 =	spop (v2sf)  }
.LBB2_3:
0x18: {  	s15 =	sshrl.u32 s9, s13;
	s17 =	simm.s32 $0x0  }
0x19: {  	s15 =	sor.u32 s15, s14;
	v3 =	vld [tilespmem:s17+$0x0]  }
0x1a: {  	v1 =	vimm.s32 $0x0;
	s16 =	simm.s32 $0x40;
	v2 =	vmov s15  }
.LBB2_4:
0x1b: {  	p0 =	sne.s32 s16, $0x7FC0  }
.Ltmp1:
0x1c: {  	_ = 	snop;
	(pc) =	sbr.rel @p0 .LBB2_4-.Ltmp1, $4  }
0x1d: {  	_ = 	snop  }
0x1e: {  	s17 =	sshra.s32 s16, $0x2;
	s16 =	sadd.s32 $0x40, s16;
	vm0 =	vge.s32 v3, v2  }
0x1f: {  	v3 =	vld [tilespmem:s17+$0x0];
	v4 =	vsel vm0, $0x1, v0  }
0x20: {  	v1 =	vadd.s32 v4, v1  }
0x21: {  	_ =	sdelay $0x2  }
0x22: {  	vm0 =	vge.s32 v3, v2  }
0x23: {  	v2 =	vsel vm0, $0x1, v0  }
0x24: {  	v1 =	vadd.s32 v2, v1  }
0x25: {  	(xrf0) =	vadd.scan.msk.s32 $0xffff, v1;
	_ =	sdelay $0x5  }
0x26: {  	v1, _, _ =	vpop (xrf0)  }
0x27: {  	(v2sf) =	vpush v1, $0xF;
	_ =	sdelay $0xe  }
0x28: {  	s16 =	spop (v2sf)  }
0x29: {  	s13 =	sadd.s32 $0x1, s13;
	p0 =	slt.s32 s16, s12  }
0x2a: {  	s15 =	smov.u32 @p0 s14;
	p0 =	sne.s32 s13, $0x1F  }
.Ltmp2:
0x2b: {  	_ = 	snop;
	(pc) =	sbr.rel @p0 .LBB2_3-.Ltmp2, $2  }
0x2c: {  	_ =	sdelay $0x2  }
0x2d: {  	s14 =	smov.u32 s15  }
0x2e: {  	s6 =	sadd.s32 $0x1, s6  }
0x2f: {  	v1 =	vmov s15;
	p0 =	sne.s32 s6, s5  }
.Ltmp3:
0x30: {  	[tilespmem:$0x2080] =	vst v1;
	(pc) =	sbr.rel @p0 .LBB2_2-.Ltmp3, $4  }
0x31: {  	[hbm4b:s4+s10] =	stream.linear.scatter [tilespmem:s11], [sflag:$0x1], $0x80, $0x38;
	[tilespmem:$0x2100] =	vst v63  }
0x32: {  	_ =	swait.ge [sflag:s7], $0x80  }
0x33: {  	[sflag:s7] =	ssyncset.done $0x0  }
0x34: {  	[sflag:s7] =	ssyncadd.s32 $0xFFFFFF80  }
.LBB2_7:
0x35: {  	_ =	sfence.sel $0x180000  }
0x36: {  	[bflag:$0x0] =	sbarrier.arrive $0xFFFF  }
0x37: {  	p0 =	sne.s32 s0, $0x0;
	_ =	strace $0x90000050  }
0x38: {  	s0 =	sadd.s32 @!p0 $0x100000, s1;
	[bflag:$0x2] =	sbarrier.arrive $0xFFFF  }
0x39: {  	[sflag:s0] =	ssyncadd.tile.s32 @!p0 $0x1;
	_ =	shalt  }
.Lfunc_end2:
_tile_overlayer_lowered:
.L_overlay_start_2:
0x3a: {  	(tag) =	ssettag $0x2  }
0x3b: {  	s0 =	rddreg [dreg:$0x0];
	s2 =	stileid.u32  }
0x3c: {  	s1 =	rddreg [dreg:$0x1];
	p0 =	sne.s32 s2, $0x0  }
0x3d: {  	s3 =	rddreg [dreg:$0x2];
	[bflag:$0x3] =	sbarrier.arrive $0xFFFF;
	s2 =	simm.s32 @!p0 $0x1C02  }
0x3e: {  	[timem:s3], [sflag:s2] =	dma.local @!p0 [hbm:s0], s1  }
0x3f: {  	s0 =	simm.s32 @!p0 $0x2  }
0x40: {  	_ =	swait.ge @!p0 [sflag:s0], s1  }
0x41: {  	s1 =	ssub.s32 @!p0 $0x0, s1;
	[sflag:s0] =	ssyncset.done @!p0 $0x0  }
0x42: {  	[sflag:s0] =	ssyncadd.s32 @!p0 s1  }
0x43: {  	[bflag:$0x3] =	sbarrier.arrive $0xFFFF  }
0x44: {  	_ =	shalt  }

// kernel: kernel.14.cloned.1.call-start
scs
__scs_entry_jumppad:
0x0: {  	(pc) =	sbr.rel $0x88, $3  }
0x1: {  	(tag) =	ssettag $0x0;
	lr =	simm.s32 $0x1  }
0x2: {  	[smem:$0x3F9D] =	sst lr;
	_ =	strace $0xD0000000  }
0x3: {  	_ = 	snop  }
0x4: {  	_ = 	snop  }
0x5: {  	_ = 	snop  }
0x6: {  	_ = 	snop  }
0x7: {  	_ = 	snop  }
__scs_overlays_trampoline_lowered:
0x8: {  	[smem:$0x3FAC] =	sst s0  }
0x9: {  	[smem:$0x3FAD] =	sst s1  }
0xa: {  	[smem:$0x3FAE] =	sst s2  }
0xb: {  	[smem:$0x3FAF] =	sst s3  }
0xc: {  	[smem:$0x3FB0] =	sst s4  }
0xd: {  	[smem:$0x3FB1] =	sst s5  }
0xe: {  	[smem:$0x3FB2] =	sst s6  }
0xf: {  	[smem:$0x3FB3] =	sst s7  }
0x10: {  	[smem:$0x3FB4] =	sst s8  }
0x11: {  	[smem:$0x3FB5] =	sst s9;
	s0 =	simm.s32 @!p0 $0x0  }
0x12: {  	s1 =	sld [smem:$0x3F9B];
	s0 =	simm.s32 @p0 $0x1  }
0x13: {  	[smem:$0x3FB6] =	sst s0;
	s0 =	simm.s32 @!p1 $0x0  }
0x14: {  	s2 =	sld [smem:$0x3F9A];
	s0 =	simm.s32 @p1 $0x1  }
0x15: {  	[smem:$0x3FB7] =	sst s0;
	s0 =	simm.s32 @!p2 $0x0  }
0x16: {  	s3 =	sld [smem:$0x3FDB];
	s0 =	simm.s32 @p2 $0x1  }
0x17: {  	s4 =	simm.s32 $0x1BF5;
	[smem:$0x3FB9] =	sst s0  }
0x18: {  	s0 =	sld [smem:$0x3F9C];
	_ =	swait.ge [sflag:s4], $0x0  }
0x19: {  	s7 =	sld [smem:$0x3F9D]  }
0x1a: {  	s8 =	sadd.s32 $0xFFFFE003, lr  }
0x1b: {  	s9 =	sadd.s32 $0xFFFFFEF7, lr;
	s5 =	simm.s32 $0xFFFFFFFF;
	p2 =	slt.u32 s8, $0xFFFFF086  }
0x1c: {  	p1 =	slt.u32 s9, $0xF7A;
	s5 =	simm.s32 @!p2 $0x0  }
0x1d: {  	s5 =	simm.s32 @p1 $0x1;
	p0 =	seq.s32 s7, s2  }
0x1e: {  	s7 =	smul.u32 @!p0 $0xF7A, s2;
	p2 =	seq.s32 @!p0 s5, $0x0  }
0x1f: {  	s9 =	smul.u32 $0xF7A, s1;
	s8 =	simm.s32 @!p0 $0x1BF5;
	p2 =	por !p2, p0  }
0x20: {  	[sflag:s8] =	ssyncset.s32 @!p0 $0xFFFFF086;
	s6 =	sadd.s32 @!p0 s3, s7;
	s7 =	simm.s32 @!p0 $0x108  }
0x21: {  	s3 =	sadd.s32 s3, s9;
	s6 =	sadd.s32 @!p0 $0x88, s6;
	s7 =	simm.s32 @p2 $0x1082  }
0x22: {  	[simem:s7], [sflag:s8] =	dma.local @!p0 [hbm:s6], $0xF7A  }
0x23: {  	s9 =	sor.u32 $0xD0000000, s2;
	s6 =	simm.s32 $0x108;
	_ =	swait.ge @!p0 [sflag:s8], $0x0  }
0x24: {  	s3 =	sadd.s32 $0x88, s3;
	s6 =	simm.s32 @!p1 $0x1082;
	[sflag:s4] =	ssyncset.s32 $0xFFFFF086  }
0x25: {  	[simem:s6], [sflag:s4] =	dma.local [hbm:s3], $0xF7A  }
0x26: {  	[smem:$0x3F9D] =	sst s1;
	(tag) =	ssettag s2;
	_ =	strace s9  }
0x27: {  	s1 =	sld [smem:$0x3FAD]  }
0x28: {  	s2 =	sld [smem:$0x3FAE]  }
0x29: {  	s4 =	sld [smem:$0x3FB0]  }
0x2a: {  	p0 =	seq.s32 s5, $0x0;
	s5 =	sld [smem:$0x3FB1]  }
0x2b: {  	s6 =	sld [smem:$0x3FB2]  }
0x2c: {  	s7 =	sld [smem:$0x3FB3]  }
0x2d: {  	s3 =	simm.s32 $0x108;
	s8 =	sld [smem:$0x3FB4]  }
0x2e: {  	s3 =	simm.s32 @!p0 $0x1082;
	s9 =	sld [smem:$0x3FB5]  }
0x2f: {  	lr =	sadd.s32 s0, s3;
	s0 =	sld [smem:$0x3FAC]  }
0x30: {  	s3 =	sld [smem:$0x3FAF]  }
0x31: {  	[smem:$0x3FB8] =	sst s10  }
0x32: {  	s10 =	sld [smem:$0x3FB6];
	_ =	sdelay $0x3  }
0x33: {  	p0 =	seq.s32 s10, $0x1;
	s10 =	sld [smem:$0x3FB8];
	_ =	sdelay $0x3  }
0x34: {  	[smem:$0x3FB8] =	sst s10  }
0x35: {  	s10 =	sld [smem:$0x3FB7];
	_ =	sdelay $0x3  }
0x36: {  	p1 =	seq.s32 s10, $0x1;
	s10 =	sld [smem:$0x3FB8];
	_ =	sdelay $0x3  }
0x37: {  	[smem:$0x3FB8] =	sst s10  }
0x38: {  	s10 =	sld [smem:$0x3FB9]  }
0x39: {  	_ = 	snop;
	(pc) =	sbr.ind lr, $3  }
0x3a: {  	_ = 	snop  }
0x3b: {  	_ = 	snop  }
0x3c: {  	p2 =	seq.s32 s10, $0x1;
	s10 =	sld [smem:$0x3FB8]  }
0x3d: {  	_ =	shalt  }
0x3e: {  	_ =	shalt  }
0x3f: {  	_ =	shalt  }
0x40: {  	_ =	shalt  }
0x41: {  	_ =	shalt  }
0x42: {  	_ =	shalt  }
0x43: {  	_ =	shalt  }
0x44: {  	_ =	shalt  }
0x45: {  	_ =	shalt  }
0x46: {  	_ =	shalt  }
0x47: {  	_ =	shalt  }
0x48: {  	_ =	shalt  }
0x49: {  	_ =	shalt  }
0x4a: {  	_ =	shalt  }
0x4b: {  	_ =	shalt  }
0x4c: {  	_ =	shalt  }
0x4d: {  	_ =	shalt  }
0x4e: {  	_ =	shalt  }
0x4f: {  	_ =	shalt  }
0x50: {  	_ =	shalt  }
0x51: {  	_ =	shalt  }
0x52: {  	_ =	shalt  }
0x53: {  	_ =	shalt  }
0x54: {  	_ =	shalt  }
0x55: {  	_ =	shalt  }
0x56: {  	_ =	shalt  }
0x57: {  	_ =	shalt  }
0x58: {  	_ =	shalt  }
0x59: {  	_ =	shalt  }
0x5a: {  	_ =	shalt  }
0x5b: {  	_ =	shalt  }
0x5c: {  	_ =	shalt  }
0x5d: {  	_ =	shalt  }
0x5e: {  	_ =	shalt  }
0x5f: {  	_ =	shalt  }
0x60: {  	_ =	shalt  }
0x61: {  	_ =	shalt  }
0x62: {  	_ =	shalt  }
0x63: {  	_ =	shalt  }
0x64: {  	_ =	shalt  }
0x65: {  	_ =	shalt  }
0x66: {  	_ =	shalt  }
0x67: {  	_ =	shalt  }
0x68: {  	_ =	shalt  }
0x69: {  	_ =	shalt  }
0x6a: {  	_ =	shalt  }
0x6b: {  	_ =	shalt  }
0x6c: {  	_ =	shalt  }
0x6d: {  	_ =	shalt  }
0x6e: {  	_ =	shalt  }
0x6f: {  	_ =	shalt  }
0x70: {  	_ =	shalt  }
0x71: {  	_ =	shalt  }
0x72: {  	_ =	shalt  }
0x73: {  	_ =	shalt  }
0x74: {  	_ =	shalt  }
0x75: {  	_ =	shalt  }
0x76: {  	_ =	shalt  }
0x77: {  	_ =	shalt  }
0x78: {  	_ =	shalt  }
0x79: {  	_ =	shalt  }
0x7a: {  	_ =	shalt  }
0x7b: {  	_ =	shalt  }
0x7c: {  	_ =	shalt  }
0x7d: {  	_ =	shalt  }
0x7e: {  	_ =	shalt  }
0x7f: {  	_ =	shalt  }
0x80: {  	_ =	shalt  }
0x81: {  	_ =	shalt  }
0x82: {  	_ =	shalt  }
0x83: {  	_ =	shalt  }
0x84: {  	_ =	shalt  }
0x85: {  	_ =	shalt  }
0x86: {  	_ =	shalt  }
0x87: {  	_ =	shalt  }
.Lfunc_end0:
.L_simem_size_0:
called_computation.1_lowered:
.L_overlay_start_0:
0x88: {  	s2 =	sld [smem:$0x3FD9]  }
0x89: {  	s3 =	sld [smem:$0x3FFE];
	_ =	sdelay $0x1  }
0x8a: {  	s1 =	srdreg.scid  }
0x8b: {  	s0 =	sand.u32 $0x1, s1  }
0x8c: {  	s17 =	sshll.u32 s0, $0xA;
	s2 =	sadd.s32 s3, s2  }
0x8d: {  	s2 =	sadd.s32 s2, s17  }
0x8e: {  	[smem:$0x3FC4] =	sst s2  }
0x8f: {  	_ = 	snop  }
0x90: {  	(tm) =	ssettm $0x1  }
0x91: {  	s18 =	sld [smem:$0x3FFB];
	_ =	sdelay $0x3  }
0x92: {  	_ =	strace s18  }
0x93: {  	s2 =	sld [smem:$0x3FFC];
	_ =	sdelay $0x3  }
0x94: {  	_ =	strace s2  }
0x95: {  	s2 =	sld [smem:$0x3FFD];
	_ =	sdelay $0x3  }
0x96: {  	_ =	strace s2  }
0x97: {  	_ =	strace $0x8FFFFFFF  }
0x98: {  	s19 =	sld [smem:$0x3FDB];
	_ =	sdelay $0x1  }
0x99: {  	s20 =	simm.s32 $_scs_section_size  }
0x9a: {  	s4 =	simm.s32 $_size__tile_overlayer_lowered;
	s5 =	simm.s32 $_tile_overlayer_lowered  }
0x9b: {  	s6 =	simm.s32 $0x1BFF;
	s21 =	sshll.u32 s5, $0x1;
	s3 =	sadd.s32 s20, s19  }
0x9c: {  	s22 =	simm.s32 $0x0;
	s4 =	sshll.u32 s4, $0x1;
	s5 =	sadd.s32 s21, s3  }
0x9d: {  	[timem:s22], [sflag:s6] =	dma.local [hbm:s5], s4  }
0x9e: {  	_ =	swait.ge [sflag:s6], s4  }
0x9f: {  	s4 =	ssub.s32 $0x0, s4;
	[sflag:s6] =	ssyncset.done $0x0  }
0xa0: {  	[sflag:s6] =	ssyncadd.s32 s4;
	_ =	sdelay $0x1  }
0xa1: {  	s23 =	simm.s32 $0x1B8B  }
0xa2: {  	_ =	swait.ge [sflag:s23], $0x1  }
0xa3: {  	[sflag:s23] =	ssyncset.done $0x0  }
0xa4: {  	[sflag:s23] =	ssyncadd.s32 $0xFFFFFFFF  }
0xa5: {  	s4 =	sld [smem:$0x0]  }
0xa6: {  	s5 =	sand.u32 $0xFFFFFFFE, s1  }
0xa7: {  	p0 =	sne.s32 s1, s5  }
0xa8: {  	s5 =	sshll.u32 @p0 s5, $0xE  }
0xa9: {  	s5 =	sadd.s32 @p0 $0x11B8D, s5;
	s6 =	sshll.u32 @p0 s4, $0x11  }
0xaa: {  	s5 =	sor.u32 @p0 s6, s5  }
0xab: {  	[sflag:s5] =	ssyncadd.remote.s32 @p0 $0x1;
	_ =	sdelay $0x1  }
0xac: {  	s5 =	simm.s32 @p0 $0x1B8D  }
0xad: {  	_ =	swait.eq @p0 [sflag:s5], $0x1  }
0xae: {  	[sflag:s5] =	ssyncadd.s32 @p0 $0xFFFFFFFF  }
0xaf: {  	s6 =	sshll.u32 @!p0 s1, $0xE  }
0xb0: {  	s6 =	sor.u32 @!p0 $0x4000, s6;
	s5 =	simm.s32 @!p0 $0x1B8D  }
0xb1: {  	s4 =	sshll.u32 @!p0 s4, $0x11;
	s6 =	sadd.s32 @!p0 $0x11B8D, s6;
	_ =	swait.eq @!p0 [sflag:s5], $0x1  }
0xb2: {  	s4 =	sor.u32 @!p0 s4, s6;
	[sflag:s5] =	ssyncadd.s32 @!p0 $0xFFFFFFFF  }
0xb3: {  	s25 =	simm.s32 $0x1B8E;
	s24 =	sld [smem:$0x3FFE];
	[sflag:s4] =	ssyncadd.remote.s32 @!p0 $0x1  }
0xb4: {  	s26 =	simm.s32 $execute0_lowered;
	[smem:$0x3FD2] =	sst s25  }
0xb5: {  	s5 =	sshll.u32 s26, $0x1;
	_ =	strace $0x8000004C;
	[dreg:$0x1] =	wrdreg $0xFFFFFFFF  }
0xb6: {  	s28 =	simm.s32 $_size_execute0_lowered;
	s3 =	sadd.s32 s3, s5;
	[dreg:$0x0] =	wrdreg $0x0  }
0xb7: {  	s5 =	sshll.u32 s28, $0x1;
	[dreg:$0x2] =	wrdreg s3  }
0xb8: {  	[dreg:$0x3] =	wrdreg s5  }
0xb9: {  	[dreg:$0x4] =	wrdreg $0xC0  }
0xba: {  	_ =	task [dreg:s22], $0x5FFFF  }
0xbb: {  	[dreg:$0x1] =	wrdreg $0xFFFFFFFF  }
0xbc: {  	[dreg:$0x0] =	wrdreg $0x60  }
0xbd: {  	[dreg:$0x2] =	wrdreg s24  }
0xbe: {  	[dreg:$0x3] =	wrdreg $0xA  }
0xbf: {  	_ =	task.clear_ibuf [dreg:s22], $0x4FFFF;
	_ =	strace $0x9000004C  }
0xc0: {  	s29 =	simm.s32 $0xA;
	_ =	strace $0x8000004E  }
0xc1: {  	_ =	swait.ge [sflag:s29], $0x1  }
0xc2: {  	[sflag:s29] =	ssyncadd.s32 $0xFFFFFFFF  }
0xc3: {  	_ =	strace $0x9000004E  }
0xc4: {  	_ =	sfence  }
0xc5: {  	s30 =	sld [smem:$0x0];
	_ =	sdelay $0x2  }
0xc6: {  	s31 =	sshll.u32 s1, $0xD;
	s1 =	sshrl.u32 s1, $0x2  }
0xc7: {  	s4 =	sand.u32 $0x4000, s31;
	s1 =	sadd.s32 s1, s30  }
0xc8: {  	s0 =	sor.u32 s4, s0;
	s1 =	sshll.u32 s1, $0x11  }
0xc9: {  	s0 =	sor.u32 s1, s0  }
0xca: {  	s0 =	sadd.s32 $0x8F2B, s0  }
0xcb: {  	[sflag:s0] =	ssyncadd.remote.s32 $0x1  }
0xcc: {  	_ =	sfence.sel $0xFFFF  }
0xcd: {  	[dreg:$0x0] =	wrdreg $0xFFFFFFFF;
	(pc) =	sbr.abs _section_cstart, $3  }
0xce: {  	[dreg:$0x1] =	wrdreg $0xFFFFFFFF  }
0xcf: {  	_ =	task.clear_ibuf [dreg:s22], $0x2FFFF;
	_ =	strace $0x9FFFFFFF  }
0xd0: {  	(tm) =	ssettm $0x7FFFFFFF  }
0xd1: {  	_ =	shalt  }
tec
execute0_lowered:
.L_overlay_start_1:
0x0: {  	(tag) =	ssettag $0x1  }
0x1: {  	s0 =	srdreg.scid  }
0x2: {  	s2 =	sand.u32 $0x1, s0;
	s0 =	stileid.u32  }
0x3: {  	s3 =	sor.u32 s0, s2  }
0x4: {  	p0 =	sne.s32 s3, $0x0  }
.Ltmp0:
0x5: {  	_ = 	snop;
	(pc) =	sbr.rel @p0 .LBB2_7-.Ltmp0, $3  }
0x6: {  	_ =	sdelay $0x1  }
0x7: {  	s4 =	rddreg [dreg:$0x0]  }
0x8: {  	s1 =	rddreg [dreg:$0x1];
	_ =	strace $0x8000004D  }
0x9: {  	s5 =	ssub.s32 $0x2, s2;
	s2 =	sadd.s32 $0x3200, s4;
	s3 =	sadd.s32 $0x3600, s4  }
0xa: {  	s4 =	sadd.s32 $0x2600, s4;
	s7 =	simm.s32 $0x1;
	s8 =	simm.s32 $0x2000  }
0xb: {  	s9 =	simm.s32 $0x40000000;
	s10 =	simm.s32 $0x0;
	s6 =	sshrl.u32 s5, $0x1  }
0xc: {  	v0 =	vimm.s32 $0x0;
	s11 =	simm.s32 $0x2080;
	s5 =	ssub.s32 s5, s6;
	s6 =	simm.s32 $0x0  }
.LBB2_2:
0xd: {  	[tilespmem:s10], [sflag:$0x1] =	stream.linear.gather [hbm4b:s2+s10], $0x2000, $0x38;
	[tilespmem:$0x2100] =	vst v63  }
0xe: {  	_ =	swait.ge [sflag:s7], $0x2000  }
0xf: {  	[sflag:s7] =	ssyncset.done $0x0  }
0x10: {  	[sflag:s7] =	ssyncadd.s32 $0xFFFFE000  }
0x11: {  	[tilespmem:s8], [sflag:$0x1] =	stream.linear.gather [hbm4b:s3+s10], $0x80, $0x38;
	[tilespmem:$0x2100] =	vst v63  }
0x12: {  	_ =	swait.ge [sflag:s7], $0x80  }
0x13: {  	[sflag:s7] =	ssyncset.done $0x0  }
0x14: {  	[sflag:s7] =	ssyncadd.s32 $0xFFFFFF80  }
0x15: {  	v1 =	vld [tilespmem:$0x2000];
	_ =	sdelay $0x4  }
0x16: {  	(v2sf) =	vpush v1, $0x0;
	_ =	sdelay $0xe  }
0x17: {  	s14 =	simm.s32 $0x0;
	s13 =	simm.s32 $0x0;
	s12 =	spop (v2sf)  }
.LBB2_3:
0x18: {  	s15 =	sshrl.u32 s9, s13;
	s17 =	simm.s32 $0x0  }
0x19: {  	s15 =	sor.u32 s15, s14;
	v3 =	vld [tilespmem:s17+$0x0]  }
0x1a: {  	v1 =	vimm.s32 $0x0;
	s16 =	simm.s32 $0x40;
	v2 =	vmov s15  }
.LBB2_4:
0x1b: {  	p0 =	sne.s32 s16, $0x7FC0  }
.Ltmp1:
0x1c: {  	_ = 	snop;
	(pc) =	sbr.rel @p0 .LBB2_4-.Ltmp1, $4  }
0x1d: {  	_ = 	snop  }
0x1e: {  	s17 =	sshra.s32 s16, $0x2;
	s16 =	sadd.s32 $0x40, s16;
	vm0 =	vge.s32 v3, v2  }
0x1f: {  	v3 =	vld [tilespmem:s17+$0x0];
	v4 =	vsel vm0, $0x1, v0  }
0x20: {  	v1 =	vadd.s32 v4, v1  }
0x21: {  	_ =	sdelay $0x2  }
0x22: {  	vm0 =	vge.s32 v3, v2  }
0x23: {  	v2 =	vsel vm0, $0x1, v0  }
0x24: {  	v1 =	vadd.s32 v2, v1  }
0x25: {  	(xrf0) =	vadd.scan.msk.s32 $0xffff, v1;
	_ =	sdelay $0x5  }
0x26: {  	v1, _, _ =	vpop (xrf0)  }
0x27: {  	(v2sf) =	vpush v1, $0xF;
	_ =	sdelay $0xe  }
0x28: {  	s16 =	spop (v2sf)  }
0x29: {  	s13 =	sadd.s32 $0x1, s13;
	p0 =	slt.s32 s16, s12  }
0x2a: {  	s15 =	smov.u32 @p0 s14;
	p0 =	sne.s32 s13, $0x1F  }
.Ltmp2:
0x2b: {  	_ = 	snop;
	(pc) =	sbr.rel @p0 .LBB2_3-.Ltmp2, $2  }
0x2c: {  	_ =	sdelay $0x2  }
0x2d: {  	s14 =	smov.u32 s15  }
0x2e: {  	s6 =	sadd.s32 $0x1, s6  }
0x2f: {  	v1 =	vmov s15;
	p0 =	sne.s32 s6, s5  }
.Ltmp3:
0x30: {  	[tilespmem:$0x2080] =	vst v1;
	(pc) =	sbr.rel @p0 .LBB2_2-.Ltmp3, $4  }
0x31: {  	[hbm4b:s4+s10] =	stream.linear.scatter [tilespmem:s11], [sflag:$0x1], $0x80, $0x38;
	[tilespmem:$0x2100] =	vst v63  }
0x32: {  	_ =	swait.ge [sflag:s7], $0x80  }
0x33: {  	[sflag:s7] =	ssyncset.done $0x0  }
0x34: {  	[sflag:s7] =	ssyncadd.s32 $0xFFFFFF80  }
.LBB2_7:
0x35: {  	_ =	sfence.sel $0x180000  }
0x36: {  	[bflag:$0x0] =	sbarrier.arrive $0xFFFF  }
0x37: {  	p0 =	sne.s32 s0, $0x0;
	_ =	strace $0x9000004D  }
0x38: {  	s0 =	sadd.s32 @!p0 $0x100000, s1;
	[bflag:$0x2] =	sbarrier.arrive $0xFFFF  }
0x39: {  	[sflag:s0] =	ssyncadd.tile.s32 @!p0 $0x1;
	_ =	shalt  }
.Lfunc_end2:
_tile_overlayer_lowered:
.L_overlay_start_2:
0x3a: {  	(tag) =	ssettag $0x2  }
0x3b: {  	s0 =	rddreg [dreg:$0x0];
	s2 =	stileid.u32  }
0x3c: {  	s1 =	rddreg [dreg:$0x1];
	p0 =	sne.s32 s2, $0x0  }
0x3d: {  	s3 =	rddreg [dreg:$0x2];
	[bflag:$0x3] =	sbarrier.arrive $0xFFFF;
	s2 =	simm.s32 @!p0 $0x1C02  }
0x3e: {  	[timem:s3], [sflag:s2] =	dma.local @!p0 [hbm:s0], s1  }
0x3f: {  	s0 =	simm.s32 @!p0 $0x2  }
0x40: {  	_ =	swait.ge @!p0 [sflag:s0], s1  }
0x41: {  	s1 =	ssub.s32 @!p0 $0x0, s1;
	[sflag:s0] =	ssyncset.done @!p0 $0x0  }
0x42: {  	[sflag:s0] =	ssyncadd.s32 @!p0 s1  }
0x43: {  	[bflag:$0x3] =	sbarrier.arrive $0xFFFF  }
0x44: {  	_ =	shalt  }

// kernel: kernel.17.cloned.1.call-start
scs
__scs_entry_jumppad:
0x0: {  	(pc) =	sbr.rel $0x88, $3  }
0x1: {  	(tag) =	ssettag $0x0;
	lr =	simm.s32 $0x1  }
0x2: {  	[smem:$0x3F9D] =	sst lr;
	_ =	strace $0xD0000000  }
0x3: {  	_ = 	snop  }
0x4: {  	_ = 	snop  }
0x5: {  	_ = 	snop  }
0x6: {  	_ = 	snop  }
0x7: {  	_ = 	snop  }
__scs_overlays_trampoline_lowered:
0x8: {  	[smem:$0x3FAC] =	sst s0  }
0x9: {  	[smem:$0x3FAD] =	sst s1  }
0xa: {  	[smem:$0x3FAE] =	sst s2  }
0xb: {  	[smem:$0x3FAF] =	sst s3  }
0xc: {  	[smem:$0x3FB0] =	sst s4  }
0xd: {  	[smem:$0x3FB1] =	sst s5  }
0xe: {  	[smem:$0x3FB2] =	sst s6  }
0xf: {  	[smem:$0x3FB3] =	sst s7  }
0x10: {  	[smem:$0x3FB4] =	sst s8  }
0x11: {  	[smem:$0x3FB5] =	sst s9;
	s0 =	simm.s32 @!p0 $0x0  }
0x12: {  	s1 =	sld [smem:$0x3F9B];
	s0 =	simm.s32 @p0 $0x1  }
0x13: {  	[smem:$0x3FB6] =	sst s0;
	s0 =	simm.s32 @!p1 $0x0  }
0x14: {  	s2 =	sld [smem:$0x3F9A];
	s0 =	simm.s32 @p1 $0x1  }
0x15: {  	[smem:$0x3FB7] =	sst s0;
	s0 =	simm.s32 @!p2 $0x0  }
0x16: {  	s3 =	sld [smem:$0x3FDB];
	s0 =	simm.s32 @p2 $0x1  }
0x17: {  	s4 =	simm.s32 $0x1BF5;
	[smem:$0x3FB9] =	sst s0  }
0x18: {  	s0 =	sld [smem:$0x3F9C];
	_ =	swait.ge [sflag:s4], $0x0  }
0x19: {  	s7 =	sld [smem:$0x3F9D]  }
0x1a: {  	s8 =	sadd.s32 $0xFFFFE003, lr  }
0x1b: {  	s9 =	sadd.s32 $0xFFFFFEF7, lr;
	s5 =	simm.s32 $0xFFFFFFFF;
	p2 =	slt.u32 s8, $0xFFFFF086  }
0x1c: {  	p1 =	slt.u32 s9, $0xF7A;
	s5 =	simm.s32 @!p2 $0x0  }
0x1d: {  	s5 =	simm.s32 @p1 $0x1;
	p0 =	seq.s32 s7, s2  }
0x1e: {  	s7 =	smul.u32 @!p0 $0xF7A, s2;
	p2 =	seq.s32 @!p0 s5, $0x0  }
0x1f: {  	s9 =	smul.u32 $0xF7A, s1;
	s8 =	simm.s32 @!p0 $0x1BF5;
	p2 =	por !p2, p0  }
0x20: {  	[sflag:s8] =	ssyncset.s32 @!p0 $0xFFFFF086;
	s6 =	sadd.s32 @!p0 s3, s7;
	s7 =	simm.s32 @!p0 $0x108  }
0x21: {  	s3 =	sadd.s32 s3, s9;
	s6 =	sadd.s32 @!p0 $0x88, s6;
	s7 =	simm.s32 @p2 $0x1082  }
0x22: {  	[simem:s7], [sflag:s8] =	dma.local @!p0 [hbm:s6], $0xF7A  }
0x23: {  	s9 =	sor.u32 $0xD0000000, s2;
	s6 =	simm.s32 $0x108;
	_ =	swait.ge @!p0 [sflag:s8], $0x0  }
0x24: {  	s3 =	sadd.s32 $0x88, s3;
	s6 =	simm.s32 @!p1 $0x1082;
	[sflag:s4] =	ssyncset.s32 $0xFFFFF086  }
0x25: {  	[simem:s6], [sflag:s4] =	dma.local [hbm:s3], $0xF7A  }
0x26: {  	[smem:$0x3F9D] =	sst s1;
	(tag) =	ssettag s2;
	_ =	strace s9  }
0x27: {  	s1 =	sld [smem:$0x3FAD]  }
0x28: {  	s2 =	sld [smem:$0x3FAE]  }
0x29: {  	s4 =	sld [smem:$0x3FB0]  }
0x2a: {  	p0 =	seq.s32 s5, $0x0;
	s5 =	sld [smem:$0x3FB1]  }
0x2b: {  	s6 =	sld [smem:$0x3FB2]  }
0x2c: {  	s7 =	sld [smem:$0x3FB3]  }
0x2d: {  	s3 =	simm.s32 $0x108;
	s8 =	sld [smem:$0x3FB4]  }
0x2e: {  	s3 =	simm.s32 @!p0 $0x1082;
	s9 =	sld [smem:$0x3FB5]  }
0x2f: {  	lr =	sadd.s32 s0, s3;
	s0 =	sld [smem:$0x3FAC]  }
0x30: {  	s3 =	sld [smem:$0x3FAF]  }
0x31: {  	[smem:$0x3FB8] =	sst s10  }
0x32: {  	s10 =	sld [smem:$0x3FB6];
	_ =	sdelay $0x3  }
0x33: {  	p0 =	seq.s32 s10, $0x1;
	s10 =	sld [smem:$0x3FB8];
	_ =	sdelay $0x3  }
0x34: {  	[smem:$0x3FB8] =	sst s10  }
0x35: {  	s10 =	sld [smem:$0x3FB7];
	_ =	sdelay $0x3  }
0x36: {  	p1 =	seq.s32 s10, $0x1;
	s10 =	sld [smem:$0x3FB8];
	_ =	sdelay $0x3  }
0x37: {  	[smem:$0x3FB8] =	sst s10  }
0x38: {  	s10 =	sld [smem:$0x3FB9]  }
0x39: {  	_ = 	snop;
	(pc) =	sbr.ind lr, $3  }
0x3a: {  	_ = 	snop  }
0x3b: {  	_ = 	snop  }
0x3c: {  	p2 =	seq.s32 s10, $0x1;
	s10 =	sld [smem:$0x3FB8]  }
0x3d: {  	_ =	shalt  }
0x3e: {  	_ =	shalt  }
0x3f: {  	_ =	shalt  }
0x40: {  	_ =	shalt  }
0x41: {  	_ =	shalt  }
0x42: {  	_ =	shalt  }
0x43: {  	_ =	shalt  }
0x44: {  	_ =	shalt  }
0x45: {  	_ =	shalt  }
0x46: {  	_ =	shalt  }
0x47: {  	_ =	shalt  }
0x48: {  	_ =	shalt  }
0x49: {  	_ =	shalt  }
0x4a: {  	_ =	shalt  }
0x4b: {  	_ =	shalt  }
0x4c: {  	_ =	shalt  }
0x4d: {  	_ =	shalt  }
0x4e: {  	_ =	shalt  }
0x4f: {  	_ =	shalt  }
0x50: {  	_ =	shalt  }
0x51: {  	_ =	shalt  }
0x52: {  	_ =	shalt  }
0x53: {  	_ =	shalt  }
0x54: {  	_ =	shalt  }
0x55: {  	_ =	shalt  }
0x56: {  	_ =	shalt  }
0x57: {  	_ =	shalt  }
0x58: {  	_ =	shalt  }
0x59: {  	_ =	shalt  }
0x5a: {  	_ =	shalt  }
0x5b: {  	_ =	shalt  }
0x5c: {  	_ =	shalt  }
0x5d: {  	_ =	shalt  }
0x5e: {  	_ =	shalt  }
0x5f: {  	_ =	shalt  }
0x60: {  	_ =	shalt  }
0x61: {  	_ =	shalt  }
0x62: {  	_ =	shalt  }
0x63: {  	_ =	shalt  }
0x64: {  	_ =	shalt  }
0x65: {  	_ =	shalt  }
0x66: {  	_ =	shalt  }
0x67: {  	_ =	shalt  }
0x68: {  	_ =	shalt  }
0x69: {  	_ =	shalt  }
0x6a: {  	_ =	shalt  }
0x6b: {  	_ =	shalt  }
0x6c: {  	_ =	shalt  }
0x6d: {  	_ =	shalt  }
0x6e: {  	_ =	shalt  }
0x6f: {  	_ =	shalt  }
0x70: {  	_ =	shalt  }
0x71: {  	_ =	shalt  }
0x72: {  	_ =	shalt  }
0x73: {  	_ =	shalt  }
0x74: {  	_ =	shalt  }
0x75: {  	_ =	shalt  }
0x76: {  	_ =	shalt  }
0x77: {  	_ =	shalt  }
0x78: {  	_ =	shalt  }
0x79: {  	_ =	shalt  }
0x7a: {  	_ =	shalt  }
0x7b: {  	_ =	shalt  }
0x7c: {  	_ =	shalt  }
0x7d: {  	_ =	shalt  }
0x7e: {  	_ =	shalt  }
0x7f: {  	_ =	shalt  }
0x80: {  	_ =	shalt  }
0x81: {  	_ =	shalt  }
0x82: {  	_ =	shalt  }
0x83: {  	_ =	shalt  }
0x84: {  	_ =	shalt  }
0x85: {  	_ =	shalt  }
0x86: {  	_ =	shalt  }
0x87: {  	_ =	shalt  }
.Lfunc_end0:
.L_simem_size_0:
called_computation.2_lowered:
.L_overlay_start_0:
0x88: {  	s2 =	sld [smem:$0x3FD9]  }
0x89: {  	s3 =	sld [smem:$0x3FFE];
	_ =	sdelay $0x1  }
0x8a: {  	s1 =	srdreg.scid  }
0x8b: {  	s0 =	sand.u32 $0x1, s1  }
0x8c: {  	s17 =	sshll.u32 s0, $0xA;
	s2 =	sadd.s32 s3, s2  }
0x8d: {  	s2 =	sadd.s32 s2, s17  }
0x8e: {  	[smem:$0x3FC4] =	sst s2  }
0x8f: {  	_ = 	snop  }
0x90: {  	(tm) =	ssettm $0x1  }
0x91: {  	s18 =	sld [smem:$0x3FFB];
	_ =	sdelay $0x3  }
0x92: {  	_ =	strace s18  }
0x93: {  	s2 =	sld [smem:$0x3FFC];
	_ =	sdelay $0x3  }
0x94: {  	_ =	strace s2  }
0x95: {  	s2 =	sld [smem:$0x3FFD];
	_ =	sdelay $0x3  }
0x96: {  	_ =	strace s2  }
0x97: {  	_ =	strace $0x8FFFFFFF  }
0x98: {  	s19 =	sld [smem:$0x3FDB];
	_ =	sdelay $0x1  }
0x99: {  	s20 =	simm.s32 $_scs_section_size  }
0x9a: {  	s4 =	simm.s32 $_size__tile_overlayer_lowered;
	s5 =	simm.s32 $_tile_overlayer_lowered  }
0x9b: {  	s6 =	simm.s32 $0x1BFF;
	s21 =	sshll.u32 s5, $0x1;
	s3 =	sadd.s32 s20, s19  }
0x9c: {  	s22 =	simm.s32 $0x0;
	s4 =	sshll.u32 s4, $0x1;
	s5 =	sadd.s32 s21, s3  }
0x9d: {  	[timem:s22], [sflag:s6] =	dma.local [hbm:s5], s4  }
0x9e: {  	_ =	swait.ge [sflag:s6], s4  }
0x9f: {  	s4 =	ssub.s32 $0x0, s4;
	[sflag:s6] =	ssyncset.done $0x0  }
0xa0: {  	[sflag:s6] =	ssyncadd.s32 s4;
	_ =	sdelay $0x1  }
0xa1: {  	s23 =	simm.s32 $0x1B8B  }
0xa2: {  	_ =	swait.ge [sflag:s23], $0x1  }
0xa3: {  	[sflag:s23] =	ssyncset.done $0x0  }
0xa4: {  	[sflag:s23] =	ssyncadd.s32 $0xFFFFFFFF  }
0xa5: {  	s4 =	sld [smem:$0x0]  }
0xa6: {  	s5 =	sand.u32 $0xFFFFFFFE, s1  }
0xa7: {  	p0 =	sne.s32 s1, s5  }
0xa8: {  	s5 =	sshll.u32 @p0 s5, $0xE  }
0xa9: {  	s5 =	sadd.s32 @p0 $0x11B8D, s5;
	s6 =	sshll.u32 @p0 s4, $0x11  }
0xaa: {  	s5 =	sor.u32 @p0 s6, s5  }
0xab: {  	[sflag:s5] =	ssyncadd.remote.s32 @p0 $0x1;
	_ =	sdelay $0x1  }
0xac: {  	s5 =	simm.s32 @p0 $0x1B8D  }
0xad: {  	_ =	swait.eq @p0 [sflag:s5], $0x1  }
0xae: {  	[sflag:s5] =	ssyncadd.s32 @p0 $0xFFFFFFFF  }
0xaf: {  	s6 =	sshll.u32 @!p0 s1, $0xE  }
0xb0: {  	s6 =	sor.u32 @!p0 $0x4000, s6;
	s5 =	simm.s32 @!p0 $0x1B8D  }
0xb1: {  	s4 =	sshll.u32 @!p0 s4, $0x11;
	s6 =	sadd.s32 @!p0 $0x11B8D, s6;
	_ =	swait.eq @!p0 [sflag:s5], $0x1  }
0xb2: {  	s4 =	sor.u32 @!p0 s4, s6;
	[sflag:s5] =	ssyncadd.s32 @!p0 $0xFFFFFFFF  }
0xb3: {  	s25 =	simm.s32 $0x1B8E;
	s24 =	sld [smem:$0x3FFE];
	[sflag:s4] =	ssyncadd.remote.s32 @!p0 $0x1  }
0xb4: {  	s26 =	simm.s32 $execute0_lowered;
	[smem:$0x3FD2] =	sst s25  }
0xb5: {  	s5 =	sshll.u32 s26, $0x1;
	_ =	strace $0x80000049;
	[dreg:$0x1] =	wrdreg $0xFFFFFFFF  }
0xb6: {  	s28 =	simm.s32 $_size_execute0_lowered;
	s3 =	sadd.s32 s3, s5;
	[dreg:$0x0] =	wrdreg $0x0  }
0xb7: {  	s5 =	sshll.u32 s28, $0x1;
	[dreg:$0x2] =	wrdreg s3  }
0xb8: {  	[dreg:$0x3] =	wrdreg s5  }
0xb9: {  	[dreg:$0x4] =	wrdreg $0xC0  }
0xba: {  	_ =	task [dreg:s22], $0x5FFFF  }
0xbb: {  	[dreg:$0x1] =	wrdreg $0xFFFFFFFF  }
0xbc: {  	[dreg:$0x0] =	wrdreg $0x60  }
0xbd: {  	[dreg:$0x2] =	wrdreg s24  }
0xbe: {  	[dreg:$0x3] =	wrdreg $0xB  }
0xbf: {  	_ =	task.clear_ibuf [dreg:s22], $0x4FFFF;
	_ =	strace $0x90000049  }
0xc0: {  	s29 =	simm.s32 $0xB;
	_ =	strace $0x8000004B  }
0xc1: {  	_ =	swait.ge [sflag:s29], $0x1  }
0xc2: {  	[sflag:s29] =	ssyncadd.s32 $0xFFFFFFFF  }
0xc3: {  	_ =	strace $0x9000004B  }
0xc4: {  	_ =	sfence  }
0xc5: {  	s30 =	sld [smem:$0x0];
	_ =	sdelay $0x2  }
0xc6: {  	s31 =	sshll.u32 s1, $0xD;
	s1 =	sshrl.u32 s1, $0x2  }
0xc7: {  	s4 =	sand.u32 $0x4000, s31;
	s1 =	sadd.s32 s1, s30  }
0xc8: {  	s0 =	sor.u32 s4, s0;
	s1 =	sshll.u32 s1, $0x11  }
0xc9: {  	s0 =	sor.u32 s1, s0  }
0xca: {  	s0 =	sadd.s32 $0x8F2B, s0  }
0xcb: {  	[sflag:s0] =	ssyncadd.remote.s32 $0x1  }
0xcc: {  	_ =	sfence.sel $0xFFFF  }
0xcd: {  	[dreg:$0x0] =	wrdreg $0xFFFFFFFF;
	(pc) =	sbr.abs _section_cstart, $3  }
0xce: {  	[dreg:$0x1] =	wrdreg $0xFFFFFFFF  }
0xcf: {  	_ =	task.clear_ibuf [dreg:s22], $0x2FFFF;
	_ =	strace $0x9FFFFFFF  }
0xd0: {  	(tm) =	ssettm $0x7FFFFFFF  }
0xd1: {  	_ =	shalt  }
tec
execute0_lowered:
.L_overlay_start_1:
0x0: {  	(tag) =	ssettag $0x1  }
0x1: {  	s0 =	srdreg.scid  }
0x2: {  	s2 =	sand.u32 $0x1, s0;
	s0 =	stileid.u32  }
0x3: {  	s3 =	sor.u32 s0, s2  }
0x4: {  	p0 =	sne.s32 s3, $0x0  }
.Ltmp0:
0x5: {  	_ = 	snop;
	(pc) =	sbr.rel @p0 .LBB2_7-.Ltmp0, $3  }
0x6: {  	_ =	sdelay $0x1  }
0x7: {  	s4 =	rddreg [dreg:$0x0]  }
0x8: {  	s1 =	rddreg [dreg:$0x1];
	_ =	strace $0x8000004A  }
0x9: {  	s5 =	ssub.s32 $0x2, s2;
	s2 =	sadd.s32 $0x2C00, s4;
	s3 =	sadd.s32 $0x3000, s4  }
0xa: {  	s4 =	sadd.s32 $0x2400, s4;
	s7 =	simm.s32 $0x1;
	s8 =	simm.s32 $0x2000  }
0xb: {  	s9 =	simm.s32 $0x40000000;
	s10 =	simm.s32 $0x0;
	s6 =	sshrl.u32 s5, $0x1  }
0xc: {  	v0 =	vimm.s32 $0x0;
	s11 =	simm.s32 $0x2080;
	s5 =	ssub.s32 s5, s6;
	s6 =	simm.s32 $0x0  }
.LBB2_2:
0xd: {  	[tilespmem:s10], [sflag:$0x1] =	stream.linear.gather [hbm4b:s2+s10], $0x2000, $0x38;
	[tilespmem:$0x2100] =	vst v63  }
0xe: {  	_ =	swait.ge [sflag:s7], $0x2000  }
0xf: {  	[sflag:s7] =	ssyncset.done $0x0  }
0x10: {  	[sflag:s7] =	ssyncadd.s32 $0xFFFFE000  }
0x11: {  	[tilespmem:s8], [sflag:$0x1] =	stream.linear.gather [hbm4b:s3+s10], $0x80, $0x38;
	[tilespmem:$0x2100] =	vst v63  }
0x12: {  	_ =	swait.ge [sflag:s7], $0x80  }
0x13: {  	[sflag:s7] =	ssyncset.done $0x0  }
0x14: {  	[sflag:s7] =	ssyncadd.s32 $0xFFFFFF80  }
0x15: {  	v1 =	vld [tilespmem:$0x2000];
	_ =	sdelay $0x4  }
0x16: {  	(v2sf) =	vpush v1, $0x0;
	_ =	sdelay $0xe  }
0x17: {  	s14 =	simm.s32 $0x0;
	s13 =	simm.s32 $0x0;
	s12 =	spop (v2sf)  }
.LBB2_3:
0x18: {  	s15 =	sshrl.u32 s9, s13;
	s17 =	simm.s32 $0x0  }
0x19: {  	s15 =	sor.u32 s15, s14;
	v3 =	vld [tilespmem:s17+$0x0]  }
0x1a: {  	v1 =	vimm.s32 $0x0;
	s16 =	simm.s32 $0x40;
	v2 =	vmov s15  }
.LBB2_4:
0x1b: {  	p0 =	sne.s32 s16, $0x7FC0  }
.Ltmp1:
0x1c: {  	_ = 	snop;
	(pc) =	sbr.rel @p0 .LBB2_4-.Ltmp1, $4  }
0x1d: {  	_ = 	snop  }
0x1e: {  	s17 =	sshra.s32 s16, $0x2;
	s16 =	sadd.s32 $0x40, s16;
	vm0 =	vge.s32 v3, v2  }
0x1f: {  	v3 =	vld [tilespmem:s17+$0x0];
	v4 =	vsel vm0, $0x1, v0  }
0x20: {  	v1 =	vadd.s32 v4, v1  }
0x21: {  	_ =	sdelay $0x2  }
0x22: {  	vm0 =	vge.s32 v3, v2  }
0x23: {  	v2 =	vsel vm0, $0x1, v0  }
0x24: {  	v1 =	vadd.s32 v2, v1  }
0x25: {  	(xrf0) =	vadd.scan.msk.s32 $0xffff, v1;
	_ =	sdelay $0x5  }
0x26: {  	v1, _, _ =	vpop (xrf0)  }
0x27: {  	(v2sf) =	vpush v1, $0xF;
	_ =	sdelay $0xe  }
0x28: {  	s16 =	spop (v2sf)  }
0x29: {  	s13 =	sadd.s32 $0x1, s13;
	p0 =	slt.s32 s16, s12  }
0x2a: {  	s15 =	smov.u32 @p0 s14;
	p0 =	sne.s32 s13, $0x1F  }
.Ltmp2:
0x2b: {  	_ = 	snop;
	(pc) =	sbr.rel @p0 .LBB2_3-.Ltmp2, $2  }
0x2c: {  	_ =	sdelay $0x2  }
0x2d: {  	s14 =	smov.u32 s15  }
0x2e: {  	s6 =	sadd.s32 $0x1, s6  }
0x2f: {  	v1 =	vmov s15;
	p0 =	sne.s32 s6, s5  }
.Ltmp3:
0x30: {  	[tilespmem:$0x2080] =	vst v1;
	(pc) =	sbr.rel @p0 .LBB2_2-.Ltmp3, $4  }
0x31: {  	[hbm4b:s4+s10] =	stream.linear.scatter [tilespmem:s11], [sflag:$0x1], $0x80, $0x38;
	[tilespmem:$0x2100] =	vst v63  }
0x32: {  	_ =	swait.ge [sflag:s7], $0x80  }
0x33: {  	[sflag:s7] =	ssyncset.done $0x0  }
0x34: {  	[sflag:s7] =	ssyncadd.s32 $0xFFFFFF80  }
.LBB2_7:
0x35: {  	_ =	sfence.sel $0x180000  }
0x36: {  	[bflag:$0x0] =	sbarrier.arrive $0xFFFF  }
0x37: {  	p0 =	sne.s32 s0, $0x0;
	_ =	strace $0x9000004A  }
0x38: {  	s0 =	sadd.s32 @!p0 $0x100000, s1;
	[bflag:$0x2] =	sbarrier.arrive $0xFFFF  }
0x39: {  	[sflag:s0] =	ssyncadd.tile.s32 @!p0 $0x1;
	_ =	shalt  }
.Lfunc_end2:
_tile_overlayer_lowered:
.L_overlay_start_2:
0x3a: {  	(tag) =	ssettag $0x2  }
0x3b: {  	s0 =	rddreg [dreg:$0x0];
	s2 =	stileid.u32  }
0x3c: {  	s1 =	rddreg [dreg:$0x1];
	p0 =	sne.s32 s2, $0x0  }
0x3d: {  	s3 =	rddreg [dreg:$0x2];
	[bflag:$0x3] =	sbarrier.arrive $0xFFFF;
	s2 =	simm.s32 @!p0 $0x1C02  }
0x3e: {  	[timem:s3], [sflag:s2] =	dma.local @!p0 [hbm:s0], s1  }
0x3f: {  	s0 =	simm.s32 @!p0 $0x2  }
0x40: {  	_ =	swait.ge @!p0 [sflag:s0], s1  }
0x41: {  	s1 =	ssub.s32 @!p0 $0x0, s1;
	[sflag:s0] =	ssyncset.done @!p0 $0x0  }
0x42: {  	[sflag:s0] =	ssyncadd.s32 @!p0 s1  }
0x43: {  	[bflag:$0x3] =	sbarrier.arrive $0xFFFF  }
0x44: {  	_ =	shalt  }

// kernel: kernel.20.cloned.1.call-start
scs
__scs_entry_jumppad:
0x0: {  	(pc) =	sbr.rel $0x88, $3  }
0x1: {  	(tag) =	ssettag $0x0;
	lr =	simm.s32 $0x1  }
0x2: {  	[smem:$0x3F9D] =	sst lr;
	_ =	strace $0xD0000000  }
0x3: {  	_ = 	snop  }
0x4: {  	_ = 	snop  }
0x5: {  	_ = 	snop  }
0x6: {  	_ = 	snop  }
0x7: {  	_ = 	snop  }
__scs_overlays_trampoline_lowered:
0x8: {  	[smem:$0x3FAC] =	sst s0  }
0x9: {  	[smem:$0x3FAD] =	sst s1  }
0xa: {  	[smem:$0x3FAE] =	sst s2  }
0xb: {  	[smem:$0x3FAF] =	sst s3  }
0xc: {  	[smem:$0x3FB0] =	sst s4  }
0xd: {  	[smem:$0x3FB1] =	sst s5  }
0xe: {  	[smem:$0x3FB2] =	sst s6  }
0xf: {  	[smem:$0x3FB3] =	sst s7  }
0x10: {  	[smem:$0x3FB4] =	sst s8  }
0x11: {  	[smem:$0x3FB5] =	sst s9;
	s0 =	simm.s32 @!p0 $0x0  }
0x12: {  	s1 =	sld [smem:$0x3F9B];
	s0 =	simm.s32 @p0 $0x1  }
0x13: {  	[smem:$0x3FB6] =	sst s0;
	s0 =	simm.s32 @!p1 $0x0  }
0x14: {  	s2 =	sld [smem:$0x3F9A];
	s0 =	simm.s32 @p1 $0x1  }
0x15: {  	[smem:$0x3FB7] =	sst s0;
	s0 =	simm.s32 @!p2 $0x0  }
0x16: {  	s3 =	sld [smem:$0x3FDB];
	s0 =	simm.s32 @p2 $0x1  }
0x17: {  	s4 =	simm.s32 $0x1BF5;
	[smem:$0x3FB9] =	sst s0  }
0x18: {  	s0 =	sld [smem:$0x3F9C];
	_ =	swait.ge [sflag:s4], $0x0  }
0x19: {  	s7 =	sld [smem:$0x3F9D]  }
0x1a: {  	s8 =	sadd.s32 $0xFFFFE003, lr  }
0x1b: {  	s9 =	sadd.s32 $0xFFFFFEF7, lr;
	s5 =	simm.s32 $0xFFFFFFFF;
	p2 =	slt.u32 s8, $0xFFFFF086  }
0x1c: {  	p1 =	slt.u32 s9, $0xF7A;
	s5 =	simm.s32 @!p2 $0x0  }
0x1d: {  	s5 =	simm.s32 @p1 $0x1;
	p0 =	seq.s32 s7, s2  }
0x1e: {  	s7 =	smul.u32 @!p0 $0xF7A, s2;
	p2 =	seq.s32 @!p0 s5, $0x0  }
0x1f: {  	s9 =	smul.u32 $0xF7A, s1;
	s8 =	simm.s32 @!p0 $0x1BF5;
	p2 =	por !p2, p0  }
0x20: {  	[sflag:s8] =	ssyncset.s32 @!p0 $0xFFFFF086;
	s6 =	sadd.s32 @!p0 s3, s7;
	s7 =	simm.s32 @!p0 $0x108  }
0x21: {  	s3 =	sadd.s32 s3, s9;
	s6 =	sadd.s32 @!p0 $0x88, s6;
	s7 =	simm.s32 @p2 $0x1082  }
0x22: {  	[simem:s7], [sflag:s8] =	dma.local @!p0 [hbm:s6], $0xF7A  }
0x23: {  	s9 =	sor.u32 $0xD0000000, s2;
	s6 =	simm.s32 $0x108;
	_ =	swait.ge @!p0 [sflag:s8], $0x0  }
0x24: {  	s3 =	sadd.s32 $0x88, s3;
	s6 =	simm.s32 @!p1 $0x1082;
	[sflag:s4] =	ssyncset.s32 $0xFFFFF086  }
0x25: {  	[simem:s6], [sflag:s4] =	dma.local [hbm:s3], $0xF7A  }
0x26: {  	[smem:$0x3F9D] =	sst s1;
	(tag) =	ssettag s2;
	_ =	strace s9  }
0x27: {  	s1 =	sld [smem:$0x3FAD]  }
0x28: {  	s2 =	sld [smem:$0x3FAE]  }
0x29: {  	s4 =	sld [smem:$0x3FB0]  }
0x2a: {  	p0 =	seq.s32 s5, $0x0;
	s5 =	sld [smem:$0x3FB1]  }
0x2b: {  	s6 =	sld [smem:$0x3FB2]  }
0x2c: {  	s7 =	sld [smem:$0x3FB3]  }
0x2d: {  	s3 =	simm.s32 $0x108;
	s8 =	sld [smem:$0x3FB4]  }
0x2e: {  	s3 =	simm.s32 @!p0 $0x1082;
	s9 =	sld [smem:$0x3FB5]  }
0x2f: {  	lr =	sadd.s32 s0, s3;
	s0 =	sld [smem:$0x3FAC]  }
0x30: {  	s3 =	sld [smem:$0x3FAF]  }
0x31: {  	[smem:$0x3FB8] =	sst s10  }
0x32: {  	s10 =	sld [smem:$0x3FB6];
	_ =	sdelay $0x3  }
0x33: {  	p0 =	seq.s32 s10, $0x1;
	s10 =	sld [smem:$0x3FB8];
	_ =	sdelay $0x3  }
0x34: {  	[smem:$0x3FB8] =	sst s10  }
0x35: {  	s10 =	sld [smem:$0x3FB7];
	_ =	sdelay $0x3  }
0x36: {  	p1 =	seq.s32 s10, $0x1;
	s10 =	sld [smem:$0x3FB8];
	_ =	sdelay $0x3  }
0x37: {  	[smem:$0x3FB8] =	sst s10  }
0x38: {  	s10 =	sld [smem:$0x3FB9]  }
0x39: {  	_ = 	snop;
	(pc) =	sbr.ind lr, $3  }
0x3a: {  	_ = 	snop  }
0x3b: {  	_ = 	snop  }
0x3c: {  	p2 =	seq.s32 s10, $0x1;
	s10 =	sld [smem:$0x3FB8]  }
0x3d: {  	_ =	shalt  }
0x3e: {  	_ =	shalt  }
0x3f: {  	_ =	shalt  }
0x40: {  	_ =	shalt  }
0x41: {  	_ =	shalt  }
0x42: {  	_ =	shalt  }
0x43: {  	_ =	shalt  }
0x44: {  	_ =	shalt  }
0x45: {  	_ =	shalt  }
0x46: {  	_ =	shalt  }
0x47: {  	_ =	shalt  }
0x48: {  	_ =	shalt  }
0x49: {  	_ =	shalt  }
0x4a: {  	_ =	shalt  }
0x4b: {  	_ =	shalt  }
0x4c: {  	_ =	shalt  }
0x4d: {  	_ =	shalt  }
0x4e: {  	_ =	shalt  }
0x4f: {  	_ =	shalt  }
0x50: {  	_ =	shalt  }
0x51: {  	_ =	shalt  }
0x52: {  	_ =	shalt  }
0x53: {  	_ =	shalt  }
0x54: {  	_ =	shalt  }
0x55: {  	_ =	shalt  }
0x56: {  	_ =	shalt  }
0x57: {  	_ =	shalt  }
0x58: {  	_ =	shalt  }
0x59: {  	_ =	shalt  }
0x5a: {  	_ =	shalt  }
0x5b: {  	_ =	shalt  }
0x5c: {  	_ =	shalt  }
0x5d: {  	_ =	shalt  }
0x5e: {  	_ =	shalt  }
0x5f: {  	_ =	shalt  }
0x60: {  	_ =	shalt  }
0x61: {  	_ =	shalt  }
0x62: {  	_ =	shalt  }
0x63: {  	_ =	shalt  }
0x64: {  	_ =	shalt  }
0x65: {  	_ =	shalt  }
0x66: {  	_ =	shalt  }
0x67: {  	_ =	shalt  }
0x68: {  	_ =	shalt  }
0x69: {  	_ =	shalt  }
0x6a: {  	_ =	shalt  }
0x6b: {  	_ =	shalt  }
0x6c: {  	_ =	shalt  }
0x6d: {  	_ =	shalt  }
0x6e: {  	_ =	shalt  }
0x6f: {  	_ =	shalt  }
0x70: {  	_ =	shalt  }
0x71: {  	_ =	shalt  }
0x72: {  	_ =	shalt  }
0x73: {  	_ =	shalt  }
0x74: {  	_ =	shalt  }
0x75: {  	_ =	shalt  }
0x76: {  	_ =	shalt  }
0x77: {  	_ =	shalt  }
0x78: {  	_ =	shalt  }
0x79: {  	_ =	shalt  }
0x7a: {  	_ =	shalt  }
0x7b: {  	_ =	shalt  }
0x7c: {  	_ =	shalt  }
0x7d: {  	_ =	shalt  }
0x7e: {  	_ =	shalt  }
0x7f: {  	_ =	shalt  }
0x80: {  	_ =	shalt  }
0x81: {  	_ =	shalt  }
0x82: {  	_ =	shalt  }
0x83: {  	_ =	shalt  }
0x84: {  	_ =	shalt  }
0x85: {  	_ =	shalt  }
0x86: {  	_ =	shalt  }
0x87: {  	_ =	shalt  }
.Lfunc_end0:
.L_simem_size_0:
called_computation.3_lowered:
.L_overlay_start_0:
0x88: {  	s2 =	sld [smem:$0x3FD9]  }
0x89: {  	s3 =	sld [smem:$0x3FFE];
	_ =	sdelay $0x1  }
0x8a: {  	s1 =	srdreg.scid  }
0x8b: {  	s0 =	sand.u32 $0x1, s1  }
0x8c: {  	s17 =	sshll.u32 s0, $0xA;
	s2 =	sadd.s32 s3, s2  }
0x8d: {  	s2 =	sadd.s32 s2, s17  }
0x8e: {  	[smem:$0x3FC4] =	sst s2  }
0x8f: {  	_ = 	snop  }
0x90: {  	s2 =	sld [smem:$0x3FD0];
	(tm) =	ssettm $0x1  }
0x91: {  	s18 =	sld [smem:$0x3FFB];
	_ =	sdelay $0x3  }
0x92: {  	_ =	strace s18  }
0x93: {  	s3 =	sld [smem:$0x3FFC];
	_ =	sdelay $0x3  }
0x94: {  	_ =	strace s3  }
0x95: {  	s3 =	sld [smem:$0x3FFD];
	_ =	sdelay $0x3  }
0x96: {  	_ =	strace s3  }
0x97: {  	_ =	strace $0x8FFFFFFF  }
0x98: {  	s19 =	sld [smem:$0x3FDB];
	_ =	sdelay $0x1  }
0x99: {  	s4 =	simm.s32 $_scs_section_size  }
0x9a: {  	s5 =	simm.s32 $_size__tile_overlayer_lowered;
	s6 =	simm.s32 $_tile_overlayer_lowered  }
0x9b: {  	s22 =	simm.s32 $0x1BFF;
	s21 =	sshll.u32 s6, $0x1;
	s3 =	sadd.s32 s4, s19  }
0x9c: {  	s7 =	simm.s32 $0x0;
	s20 =	sshll.u32 s5, $0x1;
	s5 =	sadd.s32 s21, s3  }
0x9d: {  	[timem:s7], [sflag:s22] =	dma.local [hbm:s5], s20  }
0x9e: {  	_ =	swait.ge [sflag:s22], s20  }
0x9f: {  	s4 =	ssub.s32 $0x0, s20;
	[sflag:s22] =	ssyncset.done $0x0  }
0xa0: {  	[sflag:s22] =	ssyncadd.s32 s4;
	_ =	sdelay $0x1  }
0xa1: {  	s23 =	simm.s32 $0x1B8B  }
0xa2: {  	_ =	swait.ge [sflag:s23], $0x1  }
0xa3: {  	[sflag:s23] =	ssyncset.done $0x0  }
0xa4: {  	s25 =	simm.s32 $0x1B8E;
	s24 =	sld [smem:$0x3FFE];
	[sflag:s23] =	ssyncadd.s32 $0xFFFFFFFF  }
0xa5: {  	s26 =	simm.s32 $execute0_lowered;
	[smem:$0x3FD2] =	sst s25  }
0xa6: {  	s5 =	sshll.u32 s26, $0x1;
	_ =	strace $0x80000046;
	[dreg:$0x1] =	wrdreg $0xFFFFFFFF  }
0xa7: {  	s28 =	simm.s32 $_size_execute0_lowered;
	s3 =	sadd.s32 s3, s5;
	[dreg:$0x0] =	wrdreg $0x0  }
0xa8: {  	s5 =	sshll.u32 s28, $0x1;
	[dreg:$0x2] =	wrdreg s3  }
0xa9: {  	[dreg:$0x3] =	wrdreg s5  }
0xaa: {  	[dreg:$0x4] =	wrdreg $0xC0  }
0xab: {  	_ =	task [dreg:s7], $0x5FFFF  }
0xac: {  	[dreg:$0x1] =	wrdreg $0xFFFFFFFF  }
0xad: {  	[dreg:$0x0] =	wrdreg $0x60  }
0xae: {  	[dreg:$0x2] =	wrdreg s2  }
0xaf: {  	[dreg:$0x3] =	wrdreg s24  }
0xb0: {  	[dreg:$0x4] =	wrdreg $0xC  }
0xb1: {  	_ =	task.clear_ibuf [dreg:s7], $0x5FFFF;
	_ =	strace $0x90000046  }
0xb2: {  	s29 =	simm.s32 $0xC;
	_ =	strace $0x80000048  }
0xb3: {  	_ =	swait.ge [sflag:s29], $0x1  }
0xb4: {  	[sflag:s29] =	ssyncadd.s32 $0xFFFFFFFF  }
0xb5: {  	_ =	strace $0x90000048  }
0xb6: {  	_ =	sfence  }
0xb7: {  	s30 =	sld [smem:$0x0];
	_ =	sdelay $0x2  }
0xb8: {  	s31 =	sshll.u32 s1, $0xD;
	s1 =	sshrl.u32 s1, $0x2  }
0xb9: {  	s3 =	sand.u32 $0x4000, s31;
	s1 =	sadd.s32 s1, s30  }
0xba: {  	s0 =	sor.u32 s3, s0;
	s1 =	sshll.u32 s1, $0x11  }
0xbb: {  	s0 =	sor.u32 s1, s0  }
0xbc: {  	s0 =	sadd.s32 $0x8F2B, s0  }
0xbd: {  	[sflag:s0] =	ssyncadd.remote.s32 $0x1  }
0xbe: {  	_ =	sfence.sel $0xFFFF  }
0xbf: {  	[dreg:$0x0] =	wrdreg $0xFFFFFFFF;
	(pc) =	sbr.abs _section_cstart, $3  }
0xc0: {  	[dreg:$0x1] =	wrdreg $0xFFFFFFFF  }
0xc1: {  	_ =	task.clear_ibuf [dreg:s7], $0x2FFFF;
	_ =	strace $0x9FFFFFFF  }
0xc2: {  	(tm) =	ssettm $0x7FFFFFFF  }
0xc3: {  	_ =	shalt  }
tec
execute0_lowered:
.L_overlay_start_1:
0x0: {  	(tag) =	ssettag $0x1  }
0x1: {  	s0 =	srdreg.scid  }
0x2: {  	s3 =	sand.u32 $0x1, s0;
	s0 =	stileid.u32  }
0x3: {  	s5 =	sor.u32 s0, s3  }
0x4: {  	p0 =	sne.s32 s5, $0x0  }
.Ltmp0:
0x5: {  	_ = 	snop;
	(pc) =	sbr.rel @p0 .LBB2_7-.Ltmp0, $4  }
0x6: {  	_ = 	snop  }
0x7: {  	s2 =	rddreg [dreg:$0x0]  }
0x8: {  	s4 =	rddreg [dreg:$0x1]  }
0x9: {  	s1 =	rddreg [dreg:$0x2];
	_ =	strace $0x80000047  }
0xa: {  	s5 =	ssub.s32 $0x2, s3;
	s3 =	sadd.s32 $0x2A00, s4  }
0xb: {  	s4 =	sadd.s32 $0x2200, s4;
	s7 =	simm.s32 $0x1;
	s8 =	simm.s32 $0x2000  }
0xc: {  	s9 =	simm.s32 $0x40000000;
	s10 =	simm.s32 $0x0;
	s6 =	sshrl.u32 s5, $0x1  }
0xd: {  	v0 =	vimm.s32 $0x0;
	s11 =	simm.s32 $0x2080;
	s5 =	ssub.s32 s5, s6;
	s6 =	simm.s32 $0x0  }
.LBB2_2:
0xe: {  	[tilespmem:s10], [sflag:$0x1] =	stream.linear.gather [hbm4b:s2+s10], $0x2000, $0x38;
	[tilespmem:$0x2100] =	vst v63  }
0xf: {  	_ =	swait.ge [sflag:s7], $0x2000  }
0x10: {  	[sflag:s7] =	ssyncset.done $0x0  }
0x11: {  	[sflag:s7] =	ssyncadd.s32 $0xFFFFE000  }
0x12: {  	[tilespmem:s8], [sflag:$0x1] =	stream.linear.gather [hbm4b:s3+s10], $0x80, $0x38;
	[tilespmem:$0x2100] =	vst v63  }
0x13: {  	_ =	swait.ge [sflag:s7], $0x80  }
0x14: {  	[sflag:s7] =	ssyncset.done $0x0  }
0x15: {  	[sflag:s7] =	ssyncadd.s32 $0xFFFFFF80  }
0x16: {  	v1 =	vld [tilespmem:$0x2000];
	_ =	sdelay $0x4  }
0x17: {  	(v2sf) =	vpush v1, $0x0;
	_ =	sdelay $0xe  }
0x18: {  	s14 =	simm.s32 $0x0;
	s13 =	simm.s32 $0x0;
	s12 =	spop (v2sf)  }
.LBB2_3:
0x19: {  	s15 =	sshrl.u32 s9, s13;
	s17 =	simm.s32 $0x0  }
0x1a: {  	s15 =	sor.u32 s15, s14;
	v3 =	vld [tilespmem:s17+$0x0]  }
0x1b: {  	v1 =	vimm.s32 $0x0;
	s16 =	simm.s32 $0x40;
	v2 =	vmov s15  }
.LBB2_4:
0x1c: {  	p0 =	sne.s32 s16, $0x7FC0  }
.Ltmp1:
0x1d: {  	_ = 	snop;
	(pc) =	sbr.rel @p0 .LBB2_4-.Ltmp1, $4  }
0x1e: {  	_ = 	snop  }
0x1f: {  	s17 =	sshra.s32 s16, $0x2;
	s16 =	sadd.s32 $0x40, s16;
	vm0 =	vge.s32 v3, v2  }
0x20: {  	v3 =	vld [tilespmem:s17+$0x0];
	v4 =	vsel vm0, $0x1, v0  }
0x21: {  	v1 =	vadd.s32 v4, v1  }
0x22: {  	_ =	sdelay $0x2  }
0x23: {  	vm0 =	vge.s32 v3, v2  }
0x24: {  	v2 =	vsel vm0, $0x1, v0  }
0x25: {  	v1 =	vadd.s32 v2, v1  }
0x26: {  	(xrf0) =	vadd.scan.msk.s32 $0xffff, v1;
	_ =	sdelay $0x5  }
0x27: {  	v1, _, _ =	vpop (xrf0)  }
0x28: {  	(v2sf) =	vpush v1, $0xF;
	_ =	sdelay $0xe  }
0x29: {  	s16 =	spop (v2sf)  }
0x2a: {  	s13 =	sadd.s32 $0x1, s13;
	p0 =	slt.s32 s16, s12  }
0x2b: {  	s15 =	smov.u32 @p0 s14;
	p0 =	sne.s32 s13, $0x1F  }
.Ltmp2:
0x2c: {  	_ = 	snop;
	(pc) =	sbr.rel @p0 .LBB2_3-.Ltmp2, $2  }
0x2d: {  	_ =	sdelay $0x2  }
0x2e: {  	s14 =	smov.u32 s15  }
0x2f: {  	s6 =	sadd.s32 $0x1, s6  }
0x30: {  	v1 =	vmov s15;
	p0 =	sne.s32 s6, s5  }
.Ltmp3:
0x31: {  	[tilespmem:$0x2080] =	vst v1;
	(pc) =	sbr.rel @p0 .LBB2_2-.Ltmp3, $4  }
0x32: {  	[hbm4b:s4+s10] =	stream.linear.scatter [tilespmem:s11], [sflag:$0x1], $0x80, $0x38;
	[tilespmem:$0x2100] =	vst v63  }
0x33: {  	_ =	swait.ge [sflag:s7], $0x80  }
0x34: {  	[sflag:s7] =	ssyncset.done $0x0  }
0x35: {  	[sflag:s7] =	ssyncadd.s32 $0xFFFFFF80  }
.LBB2_7:
0x36: {  	_ =	sfence.sel $0x180000  }
0x37: {  	[bflag:$0x0] =	sbarrier.arrive $0xFFFF  }
0x38: {  	p0 =	sne.s32 s0, $0x0;
	_ =	strace $0x90000047  }
0x39: {  	s0 =	sadd.s32 @!p0 $0x100000, s1;
	[bflag:$0x2] =	sbarrier.arrive $0xFFFF  }
0x3a: {  	[sflag:s0] =	ssyncadd.tile.s32 @!p0 $0x1;
	_ =	shalt  }
.Lfunc_end2:
_tile_overlayer_lowered:
.L_overlay_start_2:
0x3b: {  	(tag) =	ssettag $0x2  }
0x3c: {  	s0 =	rddreg [dreg:$0x0];
	s2 =	stileid.u32  }
0x3d: {  	s1 =	rddreg [dreg:$0x1];
	p0 =	sne.s32 s2, $0x0  }
0x3e: {  	s3 =	rddreg [dreg:$0x2];
	[bflag:$0x3] =	sbarrier.arrive $0xFFFF;
	s2 =	simm.s32 @!p0 $0x1C02  }
0x3f: {  	[timem:s3], [sflag:s2] =	dma.local @!p0 [hbm:s0], s1  }
0x40: {  	s0 =	simm.s32 @!p0 $0x2  }
0x41: {  	_ =	swait.ge @!p0 [sflag:s0], s1  }
0x42: {  	s1 =	ssub.s32 @!p0 $0x0, s1;
	[sflag:s0] =	ssyncset.done @!p0 $0x0  }
0x43: {  	[sflag:s0] =	ssyncadd.s32 @!p0 s1  }
0x44: {  	[bflag:$0x3] =	sbarrier.arrive $0xFFFF  }
0x45: {  	_ =	shalt  }

</sc_bundles>
